<compile_context>
chip_gen: v7x
topology: tpu7x:2x2x1
jax: 0.10.2.dev20260603
libtpu: 0.0.44.dev20260713+nightly
codegen_flags: <defaults>
</compile_context>

<pallas_src>
import functools

import jax
import jax.numpy as jnp
from jax import lax
from jax.experimental import pallas as pl
from jax.experimental.pallas import tpu as pltpu
from jax.experimental.pallas import tpu_sc as plsc

B, N, D = 4, 4096, 2048
ROWS = B * N

NC, NS = 2, 16
NW = NC * NS
RPW = ROWS // NW
CH = 16
NBUF = 2
NCHUNK = RPW // CH
L = 16


def _shuffle_sc(x2, perm):
    mesh = plsc.VectorSubcoreMesh(core_axis_name="c", subcore_axis_name="s")

    @functools.partial(
        pl.kernel,
        mesh=mesh,
        out_type=jax.ShapeDtypeStruct((ROWS, D), jnp.float32),
        scratch_types=[
            pltpu.VMEM((RPW,), jnp.int32),
            pltpu.VMEM((NBUF, CH, D), jnp.float32),
            pltpu.SemaphoreType.DMA,
            pltpu.SemaphoreType.DMA,
            pltpu.SemaphoreType.DMA,
            pltpu.SemaphoreType.DMA,
        ],
    )
    def k(x_hbm, perm_hbm, out_hbm, idx_v, buf, gsem0, gsem1, ssem0, ssem1):
        gsems = (gsem0, gsem1)
        ssems = (ssem0, ssem1)
        wid = lax.axis_index("s") * NC + lax.axis_index("c")
        base = wid * RPW
        b = base // N
        seg = base - b * N
        off = b * N

        pltpu.sync_copy(perm_hbm.at[pl.ds(seg, RPW)], idx_v)
        for j in range(RPW // L):
            idx_v[pl.ds(j * L, L)] = idx_v[pl.ds(j * L, L)] + off

        def gather(ci, slot):
            return pltpu.make_async_copy(
                x_hbm.at[idx_v.at[pl.ds(ci * CH, CH)]],
                buf.at[slot],
                gsems[slot],
            )

        def scatter(ci, slot):
            return pltpu.make_async_copy(
                buf.at[slot],
                out_hbm.at[pl.ds(base + ci * CH, CH)],
                ssems[slot],
            )

        for s in range(NBUF):
            gather(s, s).start()

        def step(i, carry):
            for s in range(NBUF):
                ci = i * NBUF + s
                gather(ci, s).wait()
                sc = scatter(ci, s)
                sc.start()
                sc.wait()
                nci = ci + NBUF

                @pl.when(nci < NCHUNK)
                def _():
                    gather(nci, s).start()

            return carry

        lax.fori_loop(0, NCHUNK // NBUF, step, 0)

    return k(x2, perm)


def kernel(x, permutation):
    x2 = x.reshape(ROWS, D)
    perm = permutation.astype(jnp.int32)
    out2 = _shuffle_sc(x2, perm)
    return out2.reshape(B, N, D)

# --- scband reference (transcript-rebuilt; emitter-appended) ---
"""Pipeline reference for scband-shuffle-60026462929446 (READ-ONLY COPY).

The authoritative reference and input builder live on the scoring server;
editing this copy changes nothing except your own understanding.
"""

import jax, jax.numpy as jnp
import numpy as np

def setup_inputs(seed: int = 0) -> dict:
    key = jax.random.key(seed)
    k_x, k_perm = jax.random.split(key)
    x = jax.random.normal(k_x, (4, 4096, 2048), dtype=jnp.float32)
    permutation = jax.random.permutation(k_perm, 4096)
    return {"x": x, "permutation": permutation}

def reference(x, permutation):
    # Shuffle.forward: x[:, self.permutation, ...]
    return jnp.take(x, permutation, axis=1)

if __name__ == "__main__":
    import jax
    _d = setup_inputs()
    print(jax.jit(kernel)(*tuple(_d.values())))

</pallas_src>

<mosaic_0001>
#map = affine_map<(d0, d1) -> (0, 0)>
#map1 = affine_map<(d0, d1) -> (0)>
module attributes {stable_mosaic.version = 14 : i64} {
  func.func @k(%arg0: i32, %arg1: i32, %arg2: memref<16384x2048xf32, #tpu.memory_space<hbm>>, %arg3: memref<4096xi32, #tpu.memory_space<hbm>>, %arg4: memref<16384x2048xf32, #tpu.memory_space<hbm>>, %arg5: memref<512xi32, #tpu.memory_space<vmem>>, %arg6: memref<2x16x2048xf32, #tpu.memory_space<vmem>>, %arg7: memref<!tpu.dma_semaphore, #tpu.memory_space<semaphore_mem>>, %arg8: memref<!tpu.dma_semaphore, #tpu.memory_space<semaphore_mem>>, %arg9: memref<!tpu.dma_semaphore, #tpu.memory_space<semaphore_mem>>, %arg10: memref<!tpu.dma_semaphore, #tpu.memory_space<semaphore_mem>>) attributes {dimension_semantics = [#tpu.dimension_semantics<core_parallel>, #tpu.dimension_semantics<subcore_parallel>], iteration_bounds = array<i64: 2, 16>, scalar_prefetch = 0 : i64, scratch_operands = 6 : i64, tpu.core_type = #tpu.core_type<sc_vector_subcore>, window_params = [{transform_indices = #map}, {transform_indices = #map1}, {transform_indices = #map}]} {
    %mul3A = arith.constant 2 : i32
    %mul3A_0 = arith.muli %arg1, %mul3A : i32
    %add3A = arith.addi %mul3A_0, %arg0 : i32
    %mul3A_1 = arith.constant 512 : i32
    %mul3A_2 = arith.muli %add3A, %mul3A_1 : i32
    %jit3A = arith.constant 4096 : i32
    %div3A = arith.divsi %mul3A_2, %jit3A : i32
    %sign3A = arith.constant 0 : i32
    %sign3A_3 = arith.cmpi sgt, %mul3A_2, %sign3A : i32
    %sign3A_4 = arith.extui %sign3A_3 : i1 to i32
    %sign3A_5 = arith.constant 0 : i32
    %sign3A_6 = arith.cmpi slt, %mul3A_2, %sign3A_5 : i32
    %sign3A_7 = arith.extui %sign3A_6 : i1 to i32
    %sign3A_8 = arith.subi %sign3A_4, %sign3A_7 : i32
    %sign3A_9 = arith.constant 0 : i32
    %sign3A_10 = arith.cmpi sgt, %jit3A, %sign3A_9 : i32
    %sign3A_11 = arith.extui %sign3A_10 : i1 to i32
    %sign3A_12 = arith.constant 0 : i32
    %sign3A_13 = arith.cmpi slt, %jit3A, %sign3A_12 : i32
    %sign3A_14 = arith.extui %sign3A_13 : i1 to i32
    %sign3A_15 = arith.subi %sign3A_11, %sign3A_14 : i32
    %ne3A = arith.cmpi ne, %sign3A_8, %sign3A_15 : i32
    %rem3A = arith.remsi %mul3A_2, %jit3A : i32
    %ne3A_16 = arith.constant 0 : i32
    %ne3A_17 = arith.cmpi ne, %rem3A, %ne3A_16 : i32
    %and3A = arith.andi %ne3A, %ne3A_17 : i1
    %sub3A = arith.constant 1 : i32
    %sub3A_18 = arith.subi %div3A, %sub3A : i32
    %select_n3A = arith.select %and3A, %sub3A_18, %div3A : i32
    %mul3A_19 = arith.constant 4096 : i32
    %mul3A_20 = arith.muli %select_n3A, %mul3A_19 : i32
    %sub3A_21 = arith.subi %mul3A_2, %mul3A_20 : i32
    %mul3A_22 = arith.constant 4096 : i32
    %mul3A_23 = arith.muli %select_n3A, %mul3A_22 : i32
    "tpu.region"() ({
      %run_scoped3A = tpu.sem_alloc : memref<!tpu.dma_semaphore, #tpu.memory_space<semaphore_mem>>
      %dma_start3A_334 = tpu.memref_slice %arg3[%sub3A_21] : memref<4096xi32, #tpu.memory_space<hbm>> -> memref<512xi32, #tpu.memory_space<hbm>>
      %dma_start3A_335 = tpu.memref_slice %arg3[%sub3A_21] : memref<4096xi32, #tpu.memory_space<hbm>> -> memref<512xi32, #tpu.memory_space<hbm>>
      tpu.enqueue_dma source(%dma_start3A_335 : memref<512xi32, #tpu.memory_space<hbm>>) target(%arg5 : memref<512xi32, #tpu.memory_space<vmem>>) target_semaphore(%run_scoped3A : memref<!tpu.dma_semaphore, #tpu.memory_space<semaphore_mem>>)
      %dma_wait3A = tpu.memref_slice %arg3[%sub3A_21] : memref<4096xi32, #tpu.memory_space<hbm>> -> memref<512xi32, #tpu.memory_space<hbm>>
      %dma_wait3A_336 = tpu.memref_slice %arg3[%sub3A_21] : memref<4096xi32, #tpu.memory_space<hbm>> -> memref<512xi32, #tpu.memory_space<hbm>>
      tpu.wait_dma2 semaphore(%run_scoped3A : memref<!tpu.dma_semaphore, #tpu.memory_space<semaphore_mem>>) src(%dma_wait3A_336 : memref<512xi32, #tpu.memory_space<hbm>>) dst(%arg5 : memref<512xi32, #tpu.memory_space<vmem>>)
      tpu.yield
    }) : () -> ()
    %get3A = arith.constant 0 : index
    %get3A_24 = tpu.vector_load %arg5[%get3A] {strides = array<i32>} : memref<512xi32, #tpu.memory_space<vmem>>, vector<16xi32>,
    %get3A_25 = vector.shape_cast %get3A_24 : vector<16xi32> to vector<16xi32>
    %add3A_26 = vector.broadcast %mul3A_23 : i32 to vector<16xi32>
    %add3A_27 = arith.addi %get3A_25, %add3A_26 : vector<16xi32>
    %swap3A = arith.constant 0 : index
    %swap3A_28 = tpu.vector_load %arg5[%swap3A] {strides = array<i32>} : memref<512xi32, #tpu.memory_space<vmem>>, vector<16xi32>,
    %swap3A_29 = vector.shape_cast %swap3A_28 : vector<16xi32> to vector<16xi32>
    %swap3A_30 = vector.shape_cast %add3A_27 : vector<16xi32> to vector<16xi32>
    tpu.vector_store %arg5[%swap3A], %swap3A_30 {strides = array<i32>} : memref<512xi32, #tpu.memory_space<vmem>>, vector<16xi32>,
    %get3A_31 = arith.constant 16 : index
    %get3A_32 = tpu.vector_load %arg5[%get3A_31] {strides = array<i32>} : memref<512xi32, #tpu.memory_space<vmem>>, vector<16xi32>,
    %get3A_33 = vector.shape_cast %get3A_32 : vector<16xi32> to vector<16xi32>
    %add3A_34 = vector.broadcast %mul3A_23 : i32 to vector<16xi32>
    %add3A_35 = arith.addi %get3A_33, %add3A_34 : vector<16xi32>
    %swap3A_36 = arith.constant 16 : index
    %swap3A_37 = tpu.vector_load %arg5[%swap3A_36] {strides = array<i32>} : memref<512xi32, #tpu.memory_space<vmem>>, vector<16xi32>,
    %swap3A_38 = vector.shape_cast %swap3A_37 : vector<16xi32> to vector<16xi32>
    %swap3A_39 = vector.shape_cast %add3A_35 : vector<16xi32> to vector<16xi32>
    tpu.vector_store %arg5[%swap3A_36], %swap3A_39 {strides = array<i32>} : memref<512xi32, #tpu.memory_space<vmem>>, vector<16xi32>,
    %get3A_40 = arith.constant 32 : index
    %get3A_41 = tpu.vector_load %arg5[%get3A_40] {strides = array<i32>} : memref<512xi32, #tpu.memory_space<vmem>>, vector<16xi32>,
    %get3A_42 = vector.shape_cast %get3A_41 : vector<16xi32> to vector<16xi32>
    %add3A_43 = vector.broadcast %mul3A_23 : i32 to vector<16xi32>
    %add3A_44 = arith.addi %get3A_42, %add3A_43 : vector<16xi32>
    %swap3A_45 = arith.constant 32 : index
    %swap3A_46 = tpu.vector_load %arg5[%swap3A_45] {strides = array<i32>} : memref<512xi32, #tpu.memory_space<vmem>>, vector<16xi32>,
    %swap3A_47 = vector.shape_cast %swap3A_46 : vector<16xi32> to vector<16xi32>
    %swap3A_48 = vector.shape_cast %add3A_44 : vector<16xi32> to vector<16xi32>
    tpu.vector_store %arg5[%swap3A_45], %swap3A_48 {strides = array<i32>} : memref<512xi32, #tpu.memory_space<vmem>>, vector<16xi32>,
    %get3A_49 = arith.constant 48 : index
    %get3A_50 = tpu.vector_load %arg5[%get3A_49] {strides = array<i32>} : memref<512xi32, #tpu.memory_space<vmem>>, vector<16xi32>,
    %get3A_51 = vector.shape_cast %get3A_50 : vector<16xi32> to vector<16xi32>
    %add3A_52 = vector.broadcast %mul3A_23 : i32 to vector<16xi32>
    %add3A_53 = arith.addi %get3A_51, %add3A_52 : vector<16xi32>
    %swap3A_54 = arith.constant 48 : index
    %swap3A_55 = tpu.vector_load %arg5[%swap3A_54] {strides = array<i32>} : memref<512xi32, #tpu.memory_space<vmem>>, vector<16xi32>,
    %swap3A_56 = vector.shape_cast %swap3A_55 : vector<16xi32> to vector<16xi32>
    %swap3A_57 = vector.shape_cast %add3A_53 : vector<16xi32> to vector<16xi32>
    tpu.vector_store %arg5[%swap3A_54], %swap3A_57 {strides = array<i32>} : memref<512xi32, #tpu.memory_space<vmem>>, vector<16xi32>,
    %get3A_58 = arith.constant 64 : index
    %get3A_59 = tpu.vector_load %arg5[%get3A_58] {strides = array<i32>} : memref<512xi32, #tpu.memory_space<vmem>>, vector<16xi32>,
    %get3A_60 = vector.shape_cast %get3A_59 : vector<16xi32> to vector<16xi32>
    %add3A_61 = vector.broadcast %mul3A_23 : i32 to vector<16xi32>
    %add3A_62 = arith.addi %get3A_60, %add3A_61 : vector<16xi32>
    %swap3A_63 = arith.constant 64 : index
    %swap3A_64 = tpu.vector_load %arg5[%swap3A_63] {strides = array<i32>} : memref<512xi32, #tpu.memory_space<vmem>>, vector<16xi32>,
    %swap3A_65 = vector.shape_cast %swap3A_64 : vector<16xi32> to vector<16xi32>
    %swap3A_66 = vector.shape_cast %add3A_62 : vector<16xi32> to vector<16xi32>
    tpu.vector_store %arg5[%swap3A_63], %swap3A_66 {strides = array<i32>} : memref<512xi32, #tpu.memory_space<vmem>>, vector<16xi32>,
    %get3A_67 = arith.constant 80 : index
    %get3A_68 = tpu.vector_load %arg5[%get3A_67] {strides = array<i32>} : memref<512xi32, #tpu.memory_space<vmem>>, vector<16xi32>,
    %get3A_69 = vector.shape_cast %get3A_68 : vector<16xi32> to vector<16xi32>
    %add3A_70 = vector.broadcast %mul3A_23 : i32 to vector<16xi32>
    %add3A_71 = arith.addi %get3A_69, %add3A_70 : vector<16xi32>
    %swap3A_72 = arith.constant 80 : index
    %swap3A_73 = tpu.vector_load %arg5[%swap3A_72] {strides = array<i32>} : memref<512xi32, #tpu.memory_space<vmem>>, vector<16xi32>,
    %swap3A_74 = vector.shape_cast %swap3A_73 : vector<16xi32> to vector<16xi32>
    %swap3A_75 = vector.shape_cast %add3A_71 : vector<16xi32> to vector<16xi32>
    tpu.vector_store %arg5[%swap3A_72], %swap3A_75 {strides = array<i32>} : memref<512xi32, #tpu.memory_space<vmem>>, vector<16xi32>,
    %get3A_76 = arith.constant 96 : index
    %get3A_77 = tpu.vector_load %arg5[%get3A_76] {strides = array<i32>} : memref<512xi32, #tpu.memory_space<vmem>>, vector<16xi32>,
    %get3A_78 = vector.shape_cast %get3A_77 : vector<16xi32> to vector<16xi32>
    %add3A_79 = vector.broadcast %mul3A_23 : i32 to vector<16xi32>
    %add3A_80 = arith.addi %get3A_78, %add3A_79 : vector<16xi32>
    %swap3A_81 = arith.constant 96 : index
    %swap3A_82 = tpu.vector_load %arg5[%swap3A_81] {strides = array<i32>} : memref<512xi32, #tpu.memory_space<vmem>>, vector<16xi32>,
    %swap3A_83 = vector.shape_cast %swap3A_82 : vector<16xi32> to vector<16xi32>
    %swap3A_84 = vector.shape_cast %add3A_80 : vector<16xi32> to vector<16xi32>
    tpu.vector_store %arg5[%swap3A_81], %swap3A_84 {strides = array<i32>} : memref<512xi32, #tpu.memory_space<vmem>>, vector<16xi32>,
    %get3A_85 = arith.constant 112 : index
    %get3A_86 = tpu.vector_load %arg5[%get3A_85] {strides = array<i32>} : memref<512xi32, #tpu.memory_space<vmem>>, vector<16xi32>,
    %get3A_87 = vector.shape_cast %get3A_86 : vector<16xi32> to vector<16xi32>
    %add3A_88 = vector.broadcast %mul3A_23 : i32 to vector<16xi32>
    %add3A_89 = arith.addi %get3A_87, %add3A_88 : vector<16xi32>
    %swap3A_90 = arith.constant 112 : index
    %swap3A_91 = tpu.vector_load %arg5[%swap3A_90] {strides = array<i32>} : memref<512xi32, #tpu.memory_space<vmem>>, vector<16xi32>,
    %swap3A_92 = vector.shape_cast %swap3A_91 : vector<16xi32> to vector<16xi32>
    %swap3A_93 = vector.shape_cast %add3A_89 : vector<16xi32> to vector<16xi32>
    tpu.vector_store %arg5[%swap3A_90], %swap3A_93 {strides = array<i32>} : memref<512xi32, #tpu.memory_space<vmem>>, vector<16xi32>,
    %get3A_94 = arith.constant 128 : index
    %get3A_95 = tpu.vector_load %arg5[%get3A_94] {strides = array<i32>} : memref<512xi32, #tpu.memory_space<vmem>>, vector<16xi32>,
    %get3A_96 = vector.shape_cast %get3A_95 : vector<16xi32> to vector<16xi32>
    %add3A_97 = vector.broadcast %mul3A_23 : i32 to vector<16xi32>
    %add3A_98 = arith.addi %get3A_96, %add3A_97 : vector<16xi32>
    %swap3A_99 = arith.constant 128 : index
    %swap3A_100 = tpu.vector_load %arg5[%swap3A_99] {strides = array<i32>} : memref<512xi32, #tpu.memory_space<vmem>>, vector<16xi32>,
    %swap3A_101 = vector.shape_cast %swap3A_100 : vector<16xi32> to vector<16xi32>
    %swap3A_102 = vector.shape_cast %add3A_98 : vector<16xi32> to vector<16xi32>
    tpu.vector_store %arg5[%swap3A_99], %swap3A_102 {strides = array<i32>} : memref<512xi32, #tpu.memory_space<vmem>>, vector<16xi32>,
    %get3A_103 = arith.constant 144 : index
    %get3A_104 = tpu.vector_load %arg5[%get3A_103] {strides = array<i32>} : memref<512xi32, #tpu.memory_space<vmem>>, vector<16xi32>,
    %get3A_105 = vector.shape_cast %get3A_104 : vector<16xi32> to vector<16xi32>
    %add3A_106 = vector.broadcast %mul3A_23 : i32 to vector<16xi32>
    %add3A_107 = arith.addi %get3A_105, %add3A_106 : vector<16xi32>
    %swap3A_108 = arith.constant 144 : index
    %swap3A_109 = tpu.vector_load %arg5[%swap3A_108] {strides = array<i32>} : memref<512xi32, #tpu.memory_space<vmem>>, vector<16xi32>,
    %swap3A_110 = vector.shape_cast %swap3A_109 : vector<16xi32> to vector<16xi32>
    %swap3A_111 = vector.shape_cast %add3A_107 : vector<16xi32> to vector<16xi32>
    tpu.vector_store %arg5[%swap3A_108], %swap3A_111 {strides = array<i32>} : memref<512xi32, #tpu.memory_space<vmem>>, vector<16xi32>,
    %get3A_112 = arith.constant 160 : index
    %get3A_113 = tpu.vector_load %arg5[%get3A_112] {strides = array<i32>} : memref<512xi32, #tpu.memory_space<vmem>>, vector<16xi32>,
    %get3A_114 = vector.shape_cast %get3A_113 : vector<16xi32> to vector<16xi32>
    %add3A_115 = vector.broadcast %mul3A_23 : i32 to vector<16xi32>
    %add3A_116 = arith.addi %get3A_114, %add3A_115 : vector<16xi32>
    %swap3A_117 = arith.constant 160 : index
    %swap3A_118 = tpu.vector_load %arg5[%swap3A_117] {strides = array<i32>} : memref<512xi32, #tpu.memory_space<vmem>>, vector<16xi32>,
    %swap3A_119 = vector.shape_cast %swap3A_118 : vector<16xi32> to vector<16xi32>
    %swap3A_120 = vector.shape_cast %add3A_116 : vector<16xi32> to vector<16xi32>
    tpu.vector_store %arg5[%swap3A_117], %swap3A_120 {strides = array<i32>} : memref<512xi32, #tpu.memory_space<vmem>>, vector<16xi32>,
    %get3A_121 = arith.constant 176 : index
    %get3A_122 = tpu.vector_load %arg5[%get3A_121] {strides = array<i32>} : memref<512xi32, #tpu.memory_space<vmem>>, vector<16xi32>,
    %get3A_123 = vector.shape_cast %get3A_122 : vector<16xi32> to vector<16xi32>
    %add3A_124 = vector.broadcast %mul3A_23 : i32 to vector<16xi32>
    %add3A_125 = arith.addi %get3A_123, %add3A_124 : vector<16xi32>
    %swap3A_126 = arith.constant 176 : index
    %swap3A_127 = tpu.vector_load %arg5[%swap3A_126] {strides = array<i32>} : memref<512xi32, #tpu.memory_space<vmem>>, vector<16xi32>,
    %swap3A_128 = vector.shape_cast %swap3A_127 : vector<16xi32> to vector<16xi32>
    %swap3A_129 = vector.shape_cast %add3A_125 : vector<16xi32> to vector<16xi32>
    tpu.vector_store %arg5[%swap3A_126], %swap3A_129 {strides = array<i32>} : memref<512xi32, #tpu.memory_space<vmem>>, vector<16xi32>,
    %get3A_130 = arith.constant 192 : index
    %get3A_131 = tpu.vector_load %arg5[%get3A_130] {strides = array<i32>} : memref<512xi32, #tpu.memory_space<vmem>>, vector<16xi32>,
    %get3A_132 = vector.shape_cast %get3A_131 : vector<16xi32> to vector<16xi32>
    %add3A_133 = vector.broadcast %mul3A_23 : i32 to vector<16xi32>
    %add3A_134 = arith.addi %get3A_132, %add3A_133 : vector<16xi32>
    %swap3A_135 = arith.constant 192 : index
    %swap3A_136 = tpu.vector_load %arg5[%swap3A_135] {strides = array<i32>} : memref<512xi32, #tpu.memory_space<vmem>>, vector<16xi32>,
    %swap3A_137 = vector.shape_cast %swap3A_136 : vector<16xi32> to vector<16xi32>
    %swap3A_138 = vector.shape_cast %add3A_134 : vector<16xi32> to vector<16xi32>
    tpu.vector_store %arg5[%swap3A_135], %swap3A_138 {strides = array<i32>} : memref<512xi32, #tpu.memory_space<vmem>>, vector<16xi32>,
    %get3A_139 = arith.constant 208 : index
    %get3A_140 = tpu.vector_load %arg5[%get3A_139] {strides = array<i32>} : memref<512xi32, #tpu.memory_space<vmem>>, vector<16xi32>,
    %get3A_141 = vector.shape_cast %get3A_140 : vector<16xi32> to vector<16xi32>
    %add3A_142 = vector.broadcast %mul3A_23 : i32 to vector<16xi32>
    %add3A_143 = arith.addi %get3A_141, %add3A_142 : vector<16xi32>
    %swap3A_144 = arith.constant 208 : index
    %swap3A_145 = tpu.vector_load %arg5[%swap3A_144] {strides = array<i32>} : memref<512xi32, #tpu.memory_space<vmem>>, vector<16xi32>,
    %swap3A_146 = vector.shape_cast %swap3A_145 : vector<16xi32> to vector<16xi32>
    %swap3A_147 = vector.shape_cast %add3A_143 : vector<16xi32> to vector<16xi32>
    tpu.vector_store %arg5[%swap3A_144], %swap3A_147 {strides = array<i32>} : memref<512xi32, #tpu.memory_space<vmem>>, vector<16xi32>,
    %get3A_148 = arith.constant 224 : index
    %get3A_149 = tpu.vector_load %arg5[%get3A_148] {strides = array<i32>} : memref<512xi32, #tpu.memory_space<vmem>>, vector<16xi32>,
    %get3A_150 = vector.shape_cast %get3A_149 : vector<16xi32> to vector<16xi32>
    %add3A_151 = vector.broadcast %mul3A_23 : i32 to vector<16xi32>
    %add3A_152 = arith.addi %get3A_150, %add3A_151 : vector<16xi32>
    %swap3A_153 = arith.constant 224 : index
    %swap3A_154 = tpu.vector_load %arg5[%swap3A_153] {strides = array<i32>} : memref<512xi32, #tpu.memory_space<vmem>>, vector<16xi32>,
    %swap3A_155 = vector.shape_cast %swap3A_154 : vector<16xi32> to vector<16xi32>
    %swap3A_156 = vector.shape_cast %add3A_152 : vector<16xi32> to vector<16xi32>
    tpu.vector_store %arg5[%swap3A_153], %swap3A_156 {strides = array<i32>} : memref<512xi32, #tpu.memory_space<vmem>>, vector<16xi32>,
    %get3A_157 = arith.constant 240 : index
    %get3A_158 = tpu.vector_load %arg5[%get3A_157] {strides = array<i32>} : memref<512xi32, #tpu.memory_space<vmem>>, vector<16xi32>,
    %get3A_159 = vector.shape_cast %get3A_158 : vector<16xi32> to vector<16xi32>
    %add3A_160 = vector.broadcast %mul3A_23 : i32 to vector<16xi32>
    %add3A_161 = arith.addi %get3A_159, %add3A_160 : vector<16xi32>
    %swap3A_162 = arith.constant 240 : index
    %swap3A_163 = tpu.vector_load %arg5[%swap3A_162] {strides = array<i32>} : memref<512xi32, #tpu.memory_space<vmem>>, vector<16xi32>,
    %swap3A_164 = vector.shape_cast %swap3A_163 : vector<16xi32> to vector<16xi32>
    %swap3A_165 = vector.shape_cast %add3A_161 : vector<16xi32> to vector<16xi32>
    tpu.vector_store %arg5[%swap3A_162], %swap3A_165 {strides = array<i32>} : memref<512xi32, #tpu.memory_space<vmem>>, vector<16xi32>,
    %get3A_166 = arith.constant 256 : index
    %get3A_167 = tpu.vector_load %arg5[%get3A_166] {strides = array<i32>} : memref<512xi32, #tpu.memory_space<vmem>>, vector<16xi32>,
    %get3A_168 = vector.shape_cast %get3A_167 : vector<16xi32> to vector<16xi32>
    %add3A_169 = vector.broadcast %mul3A_23 : i32 to vector<16xi32>
    %add3A_170 = arith.addi %get3A_168, %add3A_169 : vector<16xi32>
    %swap3A_171 = arith.constant 256 : index
    %swap3A_172 = tpu.vector_load %arg5[%swap3A_171] {strides = array<i32>} : memref<512xi32, #tpu.memory_space<vmem>>, vector<16xi32>,
    %swap3A_173 = vector.shape_cast %swap3A_172 : vector<16xi32> to vector<16xi32>
    %swap3A_174 = vector.shape_cast %add3A_170 : vector<16xi32> to vector<16xi32>
    tpu.vector_store %arg5[%swap3A_171], %swap3A_174 {strides = array<i32>} : memref<512xi32, #tpu.memory_space<vmem>>, vector<16xi32>,
    %get3A_175 = arith.constant 272 : index
    %get3A_176 = tpu.vector_load %arg5[%get3A_175] {strides = array<i32>} : memref<512xi32, #tpu.memory_space<vmem>>, vector<16xi32>,
    %get3A_177 = vector.shape_cast %get3A_176 : vector<16xi32> to vector<16xi32>
    %add3A_178 = vector.broadcast %mul3A_23 : i32 to vector<16xi32>
    %add3A_179 = arith.addi %get3A_177, %add3A_178 : vector<16xi32>
    %swap3A_180 = arith.constant 272 : index
    %swap3A_181 = tpu.vector_load %arg5[%swap3A_180] {strides = array<i32>} : memref<512xi32, #tpu.memory_space<vmem>>, vector<16xi32>,
    %swap3A_182 = vector.shape_cast %swap3A_181 : vector<16xi32> to vector<16xi32>
    %swap3A_183 = vector.shape_cast %add3A_179 : vector<16xi32> to vector<16xi32>
    tpu.vector_store %arg5[%swap3A_180], %swap3A_183 {strides = array<i32>} : memref<512xi32, #tpu.memory_space<vmem>>, vector<16xi32>,
    %get3A_184 = arith.constant 288 : index
    %get3A_185 = tpu.vector_load %arg5[%get3A_184] {strides = array<i32>} : memref<512xi32, #tpu.memory_space<vmem>>, vector<16xi32>,
    %get3A_186 = vector.shape_cast %get3A_185 : vector<16xi32> to vector<16xi32>
    %add3A_187 = vector.broadcast %mul3A_23 : i32 to vector<16xi32>
    %add3A_188 = arith.addi %get3A_186, %add3A_187 : vector<16xi32>
    %swap3A_189 = arith.constant 288 : index
    %swap3A_190 = tpu.vector_load %arg5[%swap3A_189] {strides = array<i32>} : memref<512xi32, #tpu.memory_space<vmem>>, vector<16xi32>,
    %swap3A_191 = vector.shape_cast %swap3A_190 : vector<16xi32> to vector<16xi32>
    %swap3A_192 = vector.shape_cast %add3A_188 : vector<16xi32> to vector<16xi32>
    tpu.vector_store %arg5[%swap3A_189], %swap3A_192 {strides = array<i32>} : memref<512xi32, #tpu.memory_space<vmem>>, vector<16xi32>,
    %get3A_193 = arith.constant 304 : index
    %get3A_194 = tpu.vector_load %arg5[%get3A_193] {strides = array<i32>} : memref<512xi32, #tpu.memory_space<vmem>>, vector<16xi32>,
    %get3A_195 = vector.shape_cast %get3A_194 : vector<16xi32> to vector<16xi32>
    %add3A_196 = vector.broadcast %mul3A_23 : i32 to vector<16xi32>
    %add3A_197 = arith.addi %get3A_195, %add3A_196 : vector<16xi32>
    %swap3A_198 = arith.constant 304 : index
    %swap3A_199 = tpu.vector_load %arg5[%swap3A_198] {strides = array<i32>} : memref<512xi32, #tpu.memory_space<vmem>>, vector<16xi32>,
    %swap3A_200 = vector.shape_cast %swap3A_199 : vector<16xi32> to vector<16xi32>
    %swap3A_201 = vector.shape_cast %add3A_197 : vector<16xi32> to vector<16xi32>
    tpu.vector_store %arg5[%swap3A_198], %swap3A_201 {strides = array<i32>} : memref<512xi32, #tpu.memory_space<vmem>>, vector<16xi32>,
    %get3A_202 = arith.constant 320 : index
    %get3A_203 = tpu.vector_load %arg5[%get3A_202] {strides = array<i32>} : memref<512xi32, #tpu.memory_space<vmem>>, vector<16xi32>,
    %get3A_204 = vector.shape_cast %get3A_203 : vector<16xi32> to vector<16xi32>
    %add3A_205 = vector.broadcast %mul3A_23 : i32 to vector<16xi32>
    %add3A_206 = arith.addi %get3A_204, %add3A_205 : vector<16xi32>
    %swap3A_207 = arith.constant 320 : index
    %swap3A_208 = tpu.vector_load %arg5[%swap3A_207] {strides = array<i32>} : memref<512xi32, #tpu.memory_space<vmem>>, vector<16xi32>,
    %swap3A_209 = vector.shape_cast %swap3A_208 : vector<16xi32> to vector<16xi32>
    %swap3A_210 = vector.shape_cast %add3A_206 : vector<16xi32> to vector<16xi32>
    tpu.vector_store %arg5[%swap3A_207], %swap3A_210 {strides = array<i32>} : memref<512xi32, #tpu.memory_space<vmem>>, vector<16xi32>,
    %get3A_211 = arith.constant 336 : index
    %get3A_212 = tpu.vector_load %arg5[%get3A_211] {strides = array<i32>} : memref<512xi32, #tpu.memory_space<vmem>>, vector<16xi32>,
    %get3A_213 = vector.shape_cast %get3A_212 : vector<16xi32> to vector<16xi32>
    %add3A_214 = vector.broadcast %mul3A_23 : i32 to vector<16xi32>
    %add3A_215 = arith.addi %get3A_213, %add3A_214 : vector<16xi32>
    %swap3A_216 = arith.constant 336 : index
    %swap3A_217 = tpu.vector_load %arg5[%swap3A_216] {strides = array<i32>} : memref<512xi32, #tpu.memory_space<vmem>>, vector<16xi32>,
    %swap3A_218 = vector.shape_cast %swap3A_217 : vector<16xi32> to vector<16xi32>
    %swap3A_219 = vector.shape_cast %add3A_215 : vector<16xi32> to vector<16xi32>
    tpu.vector_store %arg5[%swap3A_216], %swap3A_219 {strides = array<i32>} : memref<512xi32, #tpu.memory_space<vmem>>, vector<16xi32>,
    %get3A_220 = arith.constant 352 : index
    %get3A_221 = tpu.vector_load %arg5[%get3A_220] {strides = array<i32>} : memref<512xi32, #tpu.memory_space<vmem>>, vector<16xi32>,
    %get3A_222 = vector.shape_cast %get3A_221 : vector<16xi32> to vector<16xi32>
    %add3A_223 = vector.broadcast %mul3A_23 : i32 to vector<16xi32>
    %add3A_224 = arith.addi %get3A_222, %add3A_223 : vector<16xi32>
    %swap3A_225 = arith.constant 352 : index
    %swap3A_226 = tpu.vector_load %arg5[%swap3A_225] {strides = array<i32>} : memref<512xi32, #tpu.memory_space<vmem>>, vector<16xi32>,
    %swap3A_227 = vector.shape_cast %swap3A_226 : vector<16xi32> to vector<16xi32>
    %swap3A_228 = vector.shape_cast %add3A_224 : vector<16xi32> to vector<16xi32>
    tpu.vector_store %arg5[%swap3A_225], %swap3A_228 {strides = array<i32>} : memref<512xi32, #tpu.memory_space<vmem>>, vector<16xi32>,
    %get3A_229 = arith.constant 368 : index
    %get3A_230 = tpu.vector_load %arg5[%get3A_229] {strides = array<i32>} : memref<512xi32, #tpu.memory_space<vmem>>, vector<16xi32>,
    %get3A_231 = vector.shape_cast %get3A_230 : vector<16xi32> to vector<16xi32>
    %add3A_232 = vector.broadcast %mul3A_23 : i32 to vector<16xi32>
    %add3A_233 = arith.addi %get3A_231, %add3A_232 : vector<16xi32>
    %swap3A_234 = arith.constant 368 : index
    %swap3A_235 = tpu.vector_load %arg5[%swap3A_234] {strides = array<i32>} : memref<512xi32, #tpu.memory_space<vmem>>, vector<16xi32>,
    %swap3A_236 = vector.shape_cast %swap3A_235 : vector<16xi32> to vector<16xi32>
    %swap3A_237 = vector.shape_cast %add3A_233 : vector<16xi32> to vector<16xi32>
    tpu.vector_store %arg5[%swap3A_234], %swap3A_237 {strides = array<i32>} : memref<512xi32, #tpu.memory_space<vmem>>, vector<16xi32>,
    %get3A_238 = arith.constant 384 : index
    %get3A_239 = tpu.vector_load %arg5[%get3A_238] {strides = array<i32>} : memref<512xi32, #tpu.memory_space<vmem>>, vector<16xi32>,
    %get3A_240 = vector.shape_cast %get3A_239 : vector<16xi32> to vector<16xi32>
    %add3A_241 = vector.broadcast %mul3A_23 : i32 to vector<16xi32>
    %add3A_242 = arith.addi %get3A_240, %add3A_241 : vector<16xi32>
    %swap3A_243 = arith.constant 384 : index
    %swap3A_244 = tpu.vector_load %arg5[%swap3A_243] {strides = array<i32>} : memref<512xi32, #tpu.memory_space<vmem>>, vector<16xi32>,
    %swap3A_245 = vector.shape_cast %swap3A_244 : vector<16xi32> to vector<16xi32>
    %swap3A_246 = vector.shape_cast %add3A_242 : vector<16xi32> to vector<16xi32>
    tpu.vector_store %arg5[%swap3A_243], %swap3A_246 {strides = array<i32>} : memref<512xi32, #tpu.memory_space<vmem>>, vector<16xi32>,
    %get3A_247 = arith.constant 400 : index
    %get3A_248 = tpu.vector_load %arg5[%get3A_247] {strides = array<i32>} : memref<512xi32, #tpu.memory_space<vmem>>, vector<16xi32>,
    %get3A_249 = vector.shape_cast %get3A_248 : vector<16xi32> to vector<16xi32>
    %add3A_250 = vector.broadcast %mul3A_23 : i32 to vector<16xi32>
    %add3A_251 = arith.addi %get3A_249, %add3A_250 : vector<16xi32>
    %swap3A_252 = arith.constant 400 : index
    %swap3A_253 = tpu.vector_load %arg5[%swap3A_252] {strides = array<i32>} : memref<512xi32, #tpu.memory_space<vmem>>, vector<16xi32>,
    %swap3A_254 = vector.shape_cast %swap3A_253 : vector<16xi32> to vector<16xi32>
    %swap3A_255 = vector.shape_cast %add3A_251 : vector<16xi32> to vector<16xi32>
    tpu.vector_store %arg5[%swap3A_252], %swap3A_255 {strides = array<i32>} : memref<512xi32, #tpu.memory_space<vmem>>, vector<16xi32>,
    %get3A_256 = arith.constant 416 : index
    %get3A_257 = tpu.vector_load %arg5[%get3A_256] {strides = array<i32>} : memref<512xi32, #tpu.memory_space<vmem>>, vector<16xi32>,
    %get3A_258 = vector.shape_cast %get3A_257 : vector<16xi32> to vector<16xi32>
    %add3A_259 = vector.broadcast %mul3A_23 : i32 to vector<16xi32>
    %add3A_260 = arith.addi %get3A_258, %add3A_259 : vector<16xi32>
    %swap3A_261 = arith.constant 416 : index
    %swap3A_262 = tpu.vector_load %arg5[%swap3A_261] {strides = array<i32>} : memref<512xi32, #tpu.memory_space<vmem>>, vector<16xi32>,
    %swap3A_263 = vector.shape_cast %swap3A_262 : vector<16xi32> to vector<16xi32>
    %swap3A_264 = vector.shape_cast %add3A_260 : vector<16xi32> to vector<16xi32>
    tpu.vector_store %arg5[%swap3A_261], %swap3A_264 {strides = array<i32>} : memref<512xi32, #tpu.memory_space<vmem>>, vector<16xi32>,
    %get3A_265 = arith.constant 432 : index
    %get3A_266 = tpu.vector_load %arg5[%get3A_265] {strides = array<i32>} : memref<512xi32, #tpu.memory_space<vmem>>, vector<16xi32>,
    %get3A_267 = vector.shape_cast %get3A_266 : vector<16xi32> to vector<16xi32>
    %add3A_268 = vector.broadcast %mul3A_23 : i32 to vector<16xi32>
    %add3A_269 = arith.addi %get3A_267, %add3A_268 : vector<16xi32>
    %swap3A_270 = arith.constant 432 : index
    %swap3A_271 = tpu.vector_load %arg5[%swap3A_270] {strides = array<i32>} : memref<512xi32, #tpu.memory_space<vmem>>, vector<16xi32>,
    %swap3A_272 = vector.shape_cast %swap3A_271 : vector<16xi32> to vector<16xi32>
    %swap3A_273 = vector.shape_cast %add3A_269 : vector<16xi32> to vector<16xi32>
    tpu.vector_store %arg5[%swap3A_270], %swap3A_273 {strides = array<i32>} : memref<512xi32, #tpu.memory_space<vmem>>, vector<16xi32>,
    %get3A_274 = arith.constant 448 : index
    %get3A_275 = tpu.vector_load %arg5[%get3A_274] {strides = array<i32>} : memref<512xi32, #tpu.memory_space<vmem>>, vector<16xi32>,
    %get3A_276 = vector.shape_cast %get3A_275 : vector<16xi32> to vector<16xi32>
    %add3A_277 = vector.broadcast %mul3A_23 : i32 to vector<16xi32>
    %add3A_278 = arith.addi %get3A_276, %add3A_277 : vector<16xi32>
    %swap3A_279 = arith.constant 448 : index
    %swap3A_280 = tpu.vector_load %arg5[%swap3A_279] {strides = array<i32>} : memref<512xi32, #tpu.memory_space<vmem>>, vector<16xi32>,
    %swap3A_281 = vector.shape_cast %swap3A_280 : vector<16xi32> to vector<16xi32>
    %swap3A_282 = vector.shape_cast %add3A_278 : vector<16xi32> to vector<16xi32>
    tpu.vector_store %arg5[%swap3A_279], %swap3A_282 {strides = array<i32>} : memref<512xi32, #tpu.memory_space<vmem>>, vector<16xi32>,
    %get3A_283 = arith.constant 464 : index
    %get3A_284 = tpu.vector_load %arg5[%get3A_283] {strides = array<i32>} : memref<512xi32, #tpu.memory_space<vmem>>, vector<16xi32>,
    %get3A_285 = vector.shape_cast %get3A_284 : vector<16xi32> to vector<16xi32>
    %add3A_286 = vector.broadcast %mul3A_23 : i32 to vector<16xi32>
    %add3A_287 = arith.addi %get3A_285, %add3A_286 : vector<16xi32>
    %swap3A_288 = arith.constant 464 : index
    %swap3A_289 = tpu.vector_load %arg5[%swap3A_288] {strides = array<i32>} : memref<512xi32, #tpu.memory_space<vmem>>, vector<16xi32>,
    %swap3A_290 = vector.shape_cast %swap3A_289 : vector<16xi32> to vector<16xi32>
    %swap3A_291 = vector.shape_cast %add3A_287 : vector<16xi32> to vector<16xi32>
    tpu.vector_store %arg5[%swap3A_288], %swap3A_291 {strides = array<i32>} : memref<512xi32, #tpu.memory_space<vmem>>, vector<16xi32>,
    %get3A_292 = arith.constant 480 : index
    %get3A_293 = tpu.vector_load %arg5[%get3A_292] {strides = array<i32>} : memref<512xi32, #tpu.memory_space<vmem>>, vector<16xi32>,
    %get3A_294 = vector.shape_cast %get3A_293 : vector<16xi32> to vector<16xi32>
    %add3A_295 = vector.broadcast %mul3A_23 : i32 to vector<16xi32>
    %add3A_296 = arith.addi %get3A_294, %add3A_295 : vector<16xi32>
    %swap3A_297 = arith.constant 480 : index
    %swap3A_298 = tpu.vector_load %arg5[%swap3A_297] {strides = array<i32>} : memref<512xi32, #tpu.memory_space<vmem>>, vector<16xi32>,
    %swap3A_299 = vector.shape_cast %swap3A_298 : vector<16xi32> to vector<16xi32>
    %swap3A_300 = vector.shape_cast %add3A_296 : vector<16xi32> to vector<16xi32>
    tpu.vector_store %arg5[%swap3A_297], %swap3A_300 {strides = array<i32>} : memref<512xi32, #tpu.memory_space<vmem>>, vector<16xi32>,
    %get3A_301 = arith.constant 496 : index
    %get3A_302 = tpu.vector_load %arg5[%get3A_301] {strides = array<i32>} : memref<512xi32, #tpu.memory_space<vmem>>, vector<16xi32>,
    %get3A_303 = vector.shape_cast %get3A_302 : vector<16xi32> to vector<16xi32>
    %add3A_304 = vector.broadcast %mul3A_23 : i32 to vector<16xi32>
    %add3A_305 = arith.addi %get3A_303, %add3A_304 : vector<16xi32>
    %swap3A_306 = arith.constant 496 : index
    %swap3A_307 = tpu.vector_load %arg5[%swap3A_306] {strides = array<i32>} : memref<512xi32, #tpu.memory_space<vmem>>, vector<16xi32>,
    %swap3A_308 = vector.shape_cast %swap3A_307 : vector<16xi32> to vector<16xi32>
    %swap3A_309 = vector.shape_cast %add3A_305 : vector<16xi32> to vector<16xi32>
    tpu.vector_store %arg5[%swap3A_306], %swap3A_309 {strides = array<i32>} : memref<512xi32, #tpu.memory_space<vmem>>, vector<16xi32>,
    %dma_start3A = arith.constant 0 : i32
    %dma_start3A_310 = arith.constant 0 : i32
    %dma_start3A_311 = arith.constant 0 : i32
    %dma_start3A_312 = tpu.memref_slice %arg6[%dma_start3A, %dma_start3A_310, %dma_start3A_311] : memref<2x16x2048xf32, #tpu.memory_space<vmem>> -> memref<1x16x2048xf32, #tpu.memory_space<vmem>>
    %dma_start3A_313 = tpu.memref_squeeze %dma_start3A_312 : memref<1x16x2048xf32, #tpu.memory_space<vmem>> -> memref<16x2048xf32, #tpu.memory_space<vmem>>
    %dma_start3A_314 = arith.constant 0 : i32
    %dma_start3A_315 = tpu.memref_slice %arg5[%dma_start3A_314] : memref<512xi32, #tpu.memory_space<vmem>> -> memref<16xi32, #tpu.memory_space<vmem>>
    %dma_start3A_316 = arith.constant 0 : i32
    %dma_start3A_317 = arith.constant 0 : i32
    %dma_start3A_318 = tpu.memref_slice %arg2[%dma_start3A_316, %dma_start3A_317] : memref<16384x2048xf32, #tpu.memory_space<hbm>> -> memref<16384x2048xf32, #tpu.memory_space<hbm>>
    tpu.enqueue_indirect_dma source(%dma_start3A_318 : memref<16384x2048xf32, #tpu.memory_space<hbm>>) target(%dma_start3A_313 : memref<16x2048xf32, #tpu.memory_space<vmem>>) offsets(%dma_start3A_315 : memref<16xi32, #tpu.memory_space<vmem>>) semaphore(%arg7 : memref<!tpu.dma_semaphore, #tpu.memory_space<semaphore_mem>>)
    %dma_start3A_319 = arith.constant 1 : i32
    %dma_start3A_320 = arith.constant 0 : i32
    %dma_start3A_321 = arith.constant 0 : i32
    %dma_start3A_322 = tpu.memref_slice %arg6[%dma_start3A_319, %dma_start3A_320, %dma_start3A_321] : memref<2x16x2048xf32, #tpu.memory_space<vmem>> -> memref<1x16x2048xf32, #tpu.memory_space<vmem>>
    %dma_start3A_323 = tpu.memref_squeeze %dma_start3A_322 : memref<1x16x2048xf32, #tpu.memory_space<vmem>> -> memref<16x2048xf32, #tpu.memory_space<vmem>>
    %dma_start3A_324 = arith.constant 16 : i32
    %dma_start3A_325 = tpu.memref_slice %arg5[%dma_start3A_324] : memref<512xi32, #tpu.memory_space<vmem>> -> memref<16xi32, #tpu.memory_space<vmem>>
    %dma_start3A_326 = arith.constant 0 : i32
    %dma_start3A_327 = arith.constant 0 : i32
    %dma_start3A_328 = tpu.memref_slice %arg2[%dma_start3A_326, %dma_start3A_327] : memref<16384x2048xf32, #tpu.memory_space<hbm>> -> memref<16384x2048xf32, #tpu.memory_space<hbm>>
    tpu.enqueue_indirect_dma source(%dma_start3A_328 : memref<16384x2048xf32, #tpu.memory_space<hbm>>) target(%dma_start3A_323 : memref<16x2048xf32, #tpu.memory_space<vmem>>) offsets(%dma_start3A_325 : memref<16xi32, #tpu.memory_space<vmem>>) semaphore(%arg8 : memref<!tpu.dma_semaphore, #tpu.memory_space<semaphore_mem>>)
    %scan3A = arith.constant 0 : i32
    %scan3A_329 = arith.constant 0 : i32
    %scan3A_330 = arith.constant 16 : i32
    %scan3A_331 = arith.addi %scan3A_329, %scan3A_330 : i32
    %scan3A_332 = arith.constant 1 : i32
    scf.for %scan3A_334 = %scan3A_329 to %scan3A_331 step %scan3A_332  : i32 {
      %mul3A_335 = arith.constant 2 : i32
      %mul3A_336 = arith.muli %scan3A_334, %mul3A_335 : i32
      %add3A_337 = arith.constant 0 : i32
      %add3A_338 = arith.addi %mul3A_336, %add3A_337 : i32
      %mul3A_339 = arith.constant 16 : i32
      %mul3A_340 = arith.muli %add3A_338, %mul3A_339 : i32
      %dma_wait3A = arith.constant 0 : i32
      %dma_wait3A_341 = arith.constant 0 : i32
      %dma_wait3A_342 = arith.constant 0 : i32
      %dma_wait3A_343 = tpu.memref_slice %arg6[%dma_wait3A, %dma_wait3A_341, %dma_wait3A_342] : memref<2x16x2048xf32, #tpu.memory_space<vmem>> -> memref<1x16x2048xf32, #tpu.memory_space<vmem>>
      %dma_wait3A_344 = tpu.memref_squeeze %dma_wait3A_343 : memref<1x16x2048xf32, #tpu.memory_space<vmem>> -> memref<16x2048xf32, #tpu.memory_space<vmem>>
      %dma_wait3A_345 = tpu.memref_slice %arg5[%mul3A_340] : memref<512xi32, #tpu.memory_space<vmem>> -> memref<16xi32, #tpu.memory_space<vmem>>
      %dma_wait3A_346 = arith.constant 0 : i32
      %dma_wait3A_347 = arith.constant 0 : i32
      %dma_wait3A_348 = tpu.memref_slice %arg2[%dma_wait3A_346, %dma_wait3A_347] : memref<16384x2048xf32, #tpu.memory_space<hbm>> -> memref<16384x2048xf32, #tpu.memory_space<hbm>>
      tpu.wait_indirect_dma semaphore(%arg7 : memref<!tpu.dma_semaphore, #tpu.memory_space<semaphore_mem>>) src(%dma_wait3A_348 : memref<16384x2048xf32, #tpu.memory_space<hbm>>) dst(%dma_wait3A_344 : memref<16x2048xf32, #tpu.memory_space<vmem>>)
      %mul3A_349 = arith.constant 16 : i32
      %mul3A_350 = arith.muli %add3A_338, %mul3A_349 : i32
      %add3A_351 = arith.addi %mul3A_2, %mul3A_350 : i32
      %dma_start3A_352 = arith.constant 0 : i32
      %dma_start3A_353 = arith.constant 0 : i32
      %dma_start3A_354 = arith.constant 0 : i32
      %dma_start3A_355 = tpu.memref_slice %arg6[%dma_start3A_352, %dma_start3A_353, %dma_start3A_354] : memref<2x16x2048xf32, #tpu.memory_space<vmem>> -> memref<1x16x2048xf32, #tpu.memory_space<vmem>>
      %dma_start3A_356 = tpu.memref_squeeze %dma_start3A_355 : memref<1x16x2048xf32, #tpu.memory_space<vmem>> -> memref<16x2048xf32, #tpu.memory_space<vmem>>
      %dma_start3A_357 = arith.constant 0 : i32
      %dma_start3A_358 = tpu.memref_slice %arg4[%add3A_351, %dma_start3A_357] : memref<16384x2048xf32, #tpu.memory_space<hbm>> -> memref<16x2048xf32, #tpu.memory_space<hbm>>
      %dma_start3A_359 = arith.constant 0 : i32
      %dma_start3A_360 = tpu.memref_slice %arg4[%add3A_351, %dma_start3A_359] : memref<16384x2048xf32, #tpu.memory_space<hbm>> -> memref<16x2048xf32, #tpu.memory_space<hbm>>
      %dma_start3A_361 = arith.constant 0 : i32
      %dma_start3A_362 = arith.constant 0 : i32
      %dma_start3A_363 = tpu.memref_slice %arg6[%dma_start3A_352, %dma_start3A_361, %dma_start3A_362] : memref<2x16x2048xf32, #tpu.memory_space<vmem>> -> memref<1x16x2048xf32, #tpu.memory_space<vmem>>
      %dma_start3A_364 = tpu.memref_squeeze %dma_start3A_363 : memref<1x16x2048xf32, #tpu.memory_space<vmem>> -> memref<16x2048xf32, #tpu.memory_space<vmem>>
      tpu.enqueue_dma source(%dma_start3A_364 : memref<16x2048xf32, #tpu.memory_space<vmem>>) target(%dma_start3A_360 : memref<16x2048xf32, #tpu.memory_space<hbm>>) target_semaphore(%arg9 : memref<!tpu.dma_semaphore, #tpu.memory_space<semaphore_mem>>)
      %dma_wait3A_365 = arith.constant 0 : i32
      %dma_wait3A_366 = arith.constant 0 : i32
      %dma_wait3A_367 = arith.constant 0 : i32
      %dma_wait3A_368 = tpu.memref_slice %arg6[%dma_wait3A_365, %dma_wait3A_366, %dma_wait3A_367] : memref<2x16x2048xf32, #tpu.memory_space<vmem>> -> memref<1x16x2048xf32, #tpu.memory_space<vmem>>
      %dma_wait3A_369 = tpu.memref_squeeze %dma_wait3A_368 : memref<1x16x2048xf32, #tpu.memory_space<vmem>> -> memref<16x2048xf32, #tpu.memory_space<vmem>>
      %dma_wait3A_370 = arith.constant 0 : i32
      %dma_wait3A_371 = tpu.memref_slice %arg4[%add3A_351, %dma_wait3A_370] : memref<16384x2048xf32, #tpu.memory_space<hbm>> -> memref<16x2048xf32, #tpu.memory_space<hbm>>
      %dma_wait3A_372 = arith.constant 0 : i32
      %dma_wait3A_373 = tpu.memref_slice %arg4[%add3A_351, %dma_wait3A_372] : memref<16384x2048xf32, #tpu.memory_space<hbm>> -> memref<16x2048xf32, #tpu.memory_space<hbm>>
      %dma_wait3A_374 = arith.constant 0 : i32
      %dma_wait3A_375 = arith.constant 0 : i32
      %dma_wait3A_376 = tpu.memref_slice %arg6[%dma_wait3A_365, %dma_wait3A_374, %dma_wait3A_375] : memref<2x16x2048xf32, #tpu.memory_space<vmem>> -> memref<1x16x2048xf32, #tpu.memory_space<vmem>>
      %dma_wait3A_377 = tpu.memref_squeeze %dma_wait3A_376 : memref<1x16x2048xf32, #tpu.memory_space<vmem>> -> memref<16x2048xf32, #tpu.memory_space<vmem>>
      tpu.wait_dma2 semaphore(%arg9 : memref<!tpu.dma_semaphore, #tpu.memory_space<semaphore_mem>>) src(%dma_wait3A_377 : memref<16x2048xf32, #tpu.memory_space<vmem>>) dst(%dma_wait3A_373 : memref<16x2048xf32, #tpu.memory_space<hbm>>)
      %add3A_378 = arith.constant 2 : i32
      %add3A_379 = arith.addi %add3A_338, %add3A_378 : i32
      %lt3A = arith.constant 32 : i32
      %lt3A_380 = arith.cmpi slt, %add3A_379, %lt3A : i32
      %convert_element_type3A = arith.extui %lt3A_380 : i1 to i32
      %cond3A = arith.constant 0 : i32
      %cond3A_381 = arith.cmpi ne, %convert_element_type3A, %cond3A : i32
      scf.if %cond3A_381 {
        %mul3A_433 = arith.constant 16 : i32
        %mul3A_434 = arith.muli %add3A_379, %mul3A_433 : i32
        %dma_start3A_435 = arith.constant 0 : i32
        %dma_start3A_436 = arith.constant 0 : i32
        %dma_start3A_437 = arith.constant 0 : i32
        %dma_start3A_438 = tpu.memref_slice %arg6[%dma_start3A_435, %dma_start3A_436, %dma_start3A_437] : memref<2x16x2048xf32, #tpu.memory_space<vmem>> -> memref<1x16x2048xf32, #tpu.memory_space<vmem>>
        %dma_start3A_439 = tpu.memref_squeeze %dma_start3A_438 : memref<1x16x2048xf32, #tpu.memory_space<vmem>> -> memref<16x2048xf32, #tpu.memory_space<vmem>>
        %dma_start3A_440 = tpu.memref_slice %arg5[%mul3A_434] : memref<512xi32, #tpu.memory_space<vmem>> -> memref<16xi32, #tpu.memory_space<vmem>>
        %dma_start3A_441 = arith.constant 0 : i32
        %dma_start3A_442 = arith.constant 0 : i32
        %dma_start3A_443 = tpu.memref_slice %arg2[%dma_start3A_441, %dma_start3A_442] : memref<16384x2048xf32, #tpu.memory_space<hbm>> -> memref<16384x2048xf32, #tpu.memory_space<hbm>>
        tpu.enqueue_indirect_dma source(%dma_start3A_443 : memref<16384x2048xf32, #tpu.memory_space<hbm>>) target(%dma_start3A_439 : memref<16x2048xf32, #tpu.memory_space<vmem>>) offsets(%dma_start3A_440 : memref<16xi32, #tpu.memory_space<vmem>>) semaphore(%arg7 : memref<!tpu.dma_semaphore, #tpu.memory_space<semaphore_mem>>)
      } else {
      }
      %mul3A_382 = arith.constant 2 : i32
      %mul3A_383 = arith.muli %scan3A_334, %mul3A_382 : i32
      %add3A_384 = arith.constant 1 : i32
      %add3A_385 = arith.addi %mul3A_383, %add3A_384 : i32
      %mul3A_386 = arith.constant 16 : i32
      %mul3A_387 = arith.muli %add3A_385, %mul3A_386 : i32
      %dma_wait3A_388 = arith.constant 1 : i32
      %dma_wait3A_389 = arith.constant 0 : i32
      %dma_wait3A_390 = arith.constant 0 : i32
      %dma_wait3A_391 = tpu.memref_slice %arg6[%dma_wait3A_388, %dma_wait3A_389, %dma_wait3A_390] : memref<2x16x2048xf32, #tpu.memory_space<vmem>> -> memref<1x16x2048xf32, #tpu.memory_space<vmem>>
      %dma_wait3A_392 = tpu.memref_squeeze %dma_wait3A_391 : memref<1x16x2048xf32, #tpu.memory_space<vmem>> -> memref<16x2048xf32, #tpu.memory_space<vmem>>
      %dma_wait3A_393 = tpu.memref_slice %arg5[%mul3A_387] : memref<512xi32, #tpu.memory_space<vmem>> -> memref<16xi32, #tpu.memory_space<vmem>>
      %dma_wait3A_394 = arith.constant 0 : i32
      %dma_wait3A_395 = arith.constant 0 : i32
      %dma_wait3A_396 = tpu.memref_slice %arg2[%dma_wait3A_394, %dma_wait3A_395] : memref<16384x2048xf32, #tpu.memory_space<hbm>> -> memref<16384x2048xf32, #tpu.memory_space<hbm>>
      tpu.wait_indirect_dma semaphore(%arg8 : memref<!tpu.dma_semaphore, #tpu.memory_space<semaphore_mem>>) src(%dma_wait3A_396 : memref<16384x2048xf32, #tpu.memory_space<hbm>>) dst(%dma_wait3A_392 : memref<16x2048xf32, #tpu.memory_space<vmem>>)
      %mul3A_397 = arith.constant 16 : i32
      %mul3A_398 = arith.muli %add3A_385, %mul3A_397 : i32
      %add3A_399 = arith.addi %mul3A_2, %mul3A_398 : i32
      %dma_start3A_400 = arith.constant 1 : i32
      %dma_start3A_401 = arith.constant 0 : i32
      %dma_start3A_402 = arith.constant 0 : i32
      %dma_start3A_403 = tpu.memref_slice %arg6[%dma_start3A_400, %dma_start3A_401, %dma_start3A_402] : memref<2x16x2048xf32, #tpu.memory_space<vmem>> -> memref<1x16x2048xf32, #tpu.memory_space<vmem>>
      %dma_start3A_404 = tpu.memref_squeeze %dma_start3A_403 : memref<1x16x2048xf32, #tpu.memory_space<vmem>> -> memref<16x2048xf32, #tpu.memory_space<vmem>>
      %dma_start3A_405 = arith.constant 0 : i32
      %dma_start3A_406 = tpu.memref_slice %arg4[%add3A_399, %dma_start3A_405] : memref<16384x2048xf32, #tpu.memory_space<hbm>> -> memref<16x2048xf32, #tpu.memory_space<hbm>>
      %dma_start3A_407 = arith.constant 0 : i32
      %dma_start3A_408 = tpu.memref_slice %arg4[%add3A_399, %dma_start3A_407] : memref<16384x2048xf32, #tpu.memory_space<hbm>> -> memref<16x2048xf32, #tpu.memory_space<hbm>>
      %dma_start3A_409 = arith.constant 0 : i32
      %dma_start3A_410 = arith.constant 0 : i32
      %dma_start3A_411 = tpu.memref_slice %arg6[%dma_start3A_400, %dma_start3A_409, %dma_start3A_410] : memref<2x16x2048xf32, #tpu.memory_space<vmem>> -> memref<1x16x2048xf32, #tpu.memory_space<vmem>>
      %dma_start3A_412 = tpu.memref_squeeze %dma_start3A_411 : memref<1x16x2048xf32, #tpu.memory_space<vmem>> -> memref<16x2048xf32, #tpu.memory_space<vmem>>
      tpu.enqueue_dma source(%dma_start3A_412 : memref<16x2048xf32, #tpu.memory_space<vmem>>) target(%dma_start3A_408 : memref<16x2048xf32, #tpu.memory_space<hbm>>) target_semaphore(%arg10 : memref<!tpu.dma_semaphore, #tpu.memory_space<semaphore_mem>>)
      %dma_wait3A_413 = arith.constant 1 : i32
      %dma_wait3A_414 = arith.constant 0 : i32
      %dma_wait3A_415 = arith.constant 0 : i32
      %dma_wait3A_416 = tpu.memref_slice %arg6[%dma_wait3A_413, %dma_wait3A_414, %dma_wait3A_415] : memref<2x16x2048xf32, #tpu.memory_space<vmem>> -> memref<1x16x2048xf32, #tpu.memory_space<vmem>>
      %dma_wait3A_417 = tpu.memref_squeeze %dma_wait3A_416 : memref<1x16x2048xf32, #tpu.memory_space<vmem>> -> memref<16x2048xf32, #tpu.memory_space<vmem>>
      %dma_wait3A_418 = arith.constant 0 : i32
      %dma_wait3A_419 = tpu.memref_slice %arg4[%add3A_399, %dma_wait3A_418] : memref<16384x2048xf32, #tpu.memory_space<hbm>> -> memref<16x2048xf32, #tpu.memory_space<hbm>>
      %dma_wait3A_420 = arith.constant 0 : i32
      %dma_wait3A_421 = tpu.memref_slice %arg4[%add3A_399, %dma_wait3A_420] : memref<16384x2048xf32, #tpu.memory_space<hbm>> -> memref<16x2048xf32, #tpu.memory_space<hbm>>
      %dma_wait3A_422 = arith.constant 0 : i32
      %dma_wait3A_423 = arith.constant 0 : i32
      %dma_wait3A_424 = tpu.memref_slice %arg6[%dma_wait3A_413, %dma_wait3A_422, %dma_wait3A_423] : memref<2x16x2048xf32, #tpu.memory_space<vmem>> -> memref<1x16x2048xf32, #tpu.memory_space<vmem>>
      %dma_wait3A_425 = tpu.memref_squeeze %dma_wait3A_424 : memref<1x16x2048xf32, #tpu.memory_space<vmem>> -> memref<16x2048xf32, #tpu.memory_space<vmem>>
      tpu.wait_dma2 semaphore(%arg10 : memref<!tpu.dma_semaphore, #tpu.memory_space<semaphore_mem>>) src(%dma_wait3A_425 : memref<16x2048xf32, #tpu.memory_space<vmem>>) dst(%dma_wait3A_421 : memref<16x2048xf32, #tpu.memory_space<hbm>>)
      %add3A_426 = arith.constant 2 : i32
      %add3A_427 = arith.addi %add3A_385, %add3A_426 : i32
      %lt3A_428 = arith.constant 32 : i32
      %lt3A_429 = arith.cmpi slt, %add3A_427, %lt3A_428 : i32
      %convert_element_type3A_430 = arith.extui %lt3A_429 : i1 to i32
      %cond3A_431 = arith.constant 0 : i32
      %cond3A_432 = arith.cmpi ne, %convert_element_type3A_430, %cond3A_431 : i32
      scf.if %cond3A_432 {
        %mul3A_433 = arith.constant 16 : i32
        %mul3A_434 = arith.muli %add3A_427, %mul3A_433 : i32
        %dma_start3A_435 = arith.constant 1 : i32
        %dma_start3A_436 = arith.constant 0 : i32
        %dma_start3A_437 = arith.constant 0 : i32
        %dma_start3A_438 = tpu.memref_slice %arg6[%dma_start3A_435, %dma_start3A_436, %dma_start3A_437] : memref<2x16x2048xf32, #tpu.memory_space<vmem>> -> memref<1x16x2048xf32, #tpu.memory_space<vmem>>
        %dma_start3A_439 = tpu.memref_squeeze %dma_start3A_438 : memref<1x16x2048xf32, #tpu.memory_space<vmem>> -> memref<16x2048xf32, #tpu.memory_space<vmem>>
        %dma_start3A_440 = tpu.memref_slice %arg5[%mul3A_434] : memref<512xi32, #tpu.memory_space<vmem>> -> memref<16xi32, #tpu.memory_space<vmem>>
        %dma_start3A_441 = arith.constant 0 : i32
        %dma_start3A_442 = arith.constant 0 : i32
        %dma_start3A_443 = tpu.memref_slice %arg2[%dma_start3A_441, %dma_start3A_442] : memref<16384x2048xf32, #tpu.memory_space<hbm>> -> memref<16384x2048xf32, #tpu.memory_space<hbm>>
        tpu.enqueue_indirect_dma source(%dma_start3A_443 : memref<16384x2048xf32, #tpu.memory_space<hbm>>) target(%dma_start3A_439 : memref<16x2048xf32, #tpu.memory_space<vmem>>) offsets(%dma_start3A_440 : memref<16xi32, #tpu.memory_space<vmem>>) semaphore(%arg8 : memref<!tpu.dma_semaphore, #tpu.memory_space<semaphore_mem>>)
      } else {
      }
    }
    %scan3A_333 = arith.constant 16 : i32
    return
  }
}

</mosaic_0001>

<sc_bundles>
// kernel: kernel.3.cloned.1.call-start
scs
__scs_entry_jumppad:
0x0: {  	(pc) =	sbr.rel $0x88, $3  }
0x1: {  	(tag) =	ssettag $0x0;
	lr =	simm.s32 $0x1  }
0x2: {  	[smem:$0x3F9F] =	sst lr;
	_ =	strace $0xD0000000  }
0x3: {  	_ = 	snop  }
0x4: {  	_ = 	snop  }
0x5: {  	_ = 	snop  }
0x6: {  	_ = 	snop  }
0x7: {  	_ = 	snop  }
__scs_overlays_trampoline_lowered:
0x8: {  	[smem:$0x3FAE] =	sst s0  }
0x9: {  	[smem:$0x3FAF] =	sst s1  }
0xa: {  	[smem:$0x3FB0] =	sst s2  }
0xb: {  	[smem:$0x3FB1] =	sst s3  }
0xc: {  	[smem:$0x3FB2] =	sst s4  }
0xd: {  	[smem:$0x3FB3] =	sst s5  }
0xe: {  	[smem:$0x3FB4] =	sst s6  }
0xf: {  	[smem:$0x3FB5] =	sst s7  }
0x10: {  	[smem:$0x3FB6] =	sst s8  }
0x11: {  	[smem:$0x3FB7] =	sst s9;
	s0 =	simm.s32 @!p0 $0x0  }
0x12: {  	s1 =	sld [smem:$0x3F9D];
	s0 =	simm.s32 @p0 $0x1  }
0x13: {  	[smem:$0x3FB8] =	sst s0;
	s0 =	simm.s32 @!p1 $0x0  }
0x14: {  	s2 =	sld [smem:$0x3F9C];
	s0 =	simm.s32 @p1 $0x1  }
0x15: {  	[smem:$0x3FB9] =	sst s0;
	s0 =	simm.s32 @!p2 $0x0  }
0x16: {  	s3 =	sld [smem:$0x3FDB];
	s0 =	simm.s32 @p2 $0x1  }
0x17: {  	s4 =	simm.s32 $0x1BF5;
	[smem:$0x3FBB] =	sst s0  }
0x18: {  	s0 =	sld [smem:$0x3F9E];
	_ =	swait.ge [sflag:s4], $0x0  }
0x19: {  	s7 =	sld [smem:$0x3F9F]  }
0x1a: {  	s8 =	sadd.s32 $0xFFFFE003, lr  }
0x1b: {  	s9 =	sadd.s32 $0xFFFFFEF7, lr;
	s5 =	simm.s32 $0xFFFFFFFF;
	p2 =	slt.u32 s8, $0xFFFFF086  }
0x1c: {  	p1 =	slt.u32 s9, $0xF7A;
	s5 =	simm.s32 @!p2 $0x0  }
0x1d: {  	s5 =	simm.s32 @p1 $0x1;
	p0 =	seq.s32 s7, s2  }
0x1e: {  	s7 =	smul.u32 @!p0 $0xF7A, s2;
	p2 =	seq.s32 @!p0 s5, $0x0  }
0x1f: {  	s9 =	smul.u32 $0xF7A, s1;
	s8 =	simm.s32 @!p0 $0x1BF5;
	p2 =	por !p2, p0  }
0x20: {  	[sflag:s8] =	ssyncset.s32 @!p0 $0xFFFFF086;
	s6 =	sadd.s32 @!p0 s3, s7;
	s7 =	simm.s32 @!p0 $0x108  }
0x21: {  	s3 =	sadd.s32 s3, s9;
	s6 =	sadd.s32 @!p0 $0x88, s6;
	s7 =	simm.s32 @p2 $0x1082  }
0x22: {  	[simem:s7], [sflag:s8] =	dma.local @!p0 [hbm:s6], $0xF7A  }
0x23: {  	s9 =	sor.u32 $0xD0000000, s2;
	s6 =	simm.s32 $0x108;
	_ =	swait.ge @!p0 [sflag:s8], $0x0  }
0x24: {  	s3 =	sadd.s32 $0x88, s3;
	s6 =	simm.s32 @!p1 $0x1082;
	[sflag:s4] =	ssyncset.s32 $0xFFFFF086  }
0x25: {  	[simem:s6], [sflag:s4] =	dma.local [hbm:s3], $0xF7A  }
0x26: {  	[smem:$0x3F9F] =	sst s1;
	(tag) =	ssettag s2;
	_ =	strace s9  }
0x27: {  	s1 =	sld [smem:$0x3FAF]  }
0x28: {  	s2 =	sld [smem:$0x3FB0]  }
0x29: {  	s4 =	sld [smem:$0x3FB2]  }
0x2a: {  	p0 =	seq.s32 s5, $0x0;
	s5 =	sld [smem:$0x3FB3]  }
0x2b: {  	s6 =	sld [smem:$0x3FB4]  }
0x2c: {  	s7 =	sld [smem:$0x3FB5]  }
0x2d: {  	s3 =	simm.s32 $0x108;
	s8 =	sld [smem:$0x3FB6]  }
0x2e: {  	s3 =	simm.s32 @!p0 $0x1082;
	s9 =	sld [smem:$0x3FB7]  }
0x2f: {  	lr =	sadd.s32 s0, s3;
	s0 =	sld [smem:$0x3FAE]  }
0x30: {  	s3 =	sld [smem:$0x3FB1]  }
0x31: {  	[smem:$0x3FBA] =	sst s10  }
0x32: {  	s10 =	sld [smem:$0x3FB8];
	_ =	sdelay $0x3  }
0x33: {  	p0 =	seq.s32 s10, $0x1;
	s10 =	sld [smem:$0x3FBA];
	_ =	sdelay $0x3  }
0x34: {  	[smem:$0x3FBA] =	sst s10  }
0x35: {  	s10 =	sld [smem:$0x3FB9];
	_ =	sdelay $0x3  }
0x36: {  	p1 =	seq.s32 s10, $0x1;
	s10 =	sld [smem:$0x3FBA];
	_ =	sdelay $0x3  }
0x37: {  	[smem:$0x3FBA] =	sst s10  }
0x38: {  	s10 =	sld [smem:$0x3FBB]  }
0x39: {  	_ = 	snop;
	(pc) =	sbr.ind lr, $3  }
0x3a: {  	_ = 	snop  }
0x3b: {  	_ = 	snop  }
0x3c: {  	p2 =	seq.s32 s10, $0x1;
	s10 =	sld [smem:$0x3FBA]  }
0x3d: {  	_ =	shalt  }
0x3e: {  	_ =	shalt  }
0x3f: {  	_ =	shalt  }
0x40: {  	_ =	shalt  }
0x41: {  	_ =	shalt  }
0x42: {  	_ =	shalt  }
0x43: {  	_ =	shalt  }
0x44: {  	_ =	shalt  }
0x45: {  	_ =	shalt  }
0x46: {  	_ =	shalt  }
0x47: {  	_ =	shalt  }
0x48: {  	_ =	shalt  }
0x49: {  	_ =	shalt  }
0x4a: {  	_ =	shalt  }
0x4b: {  	_ =	shalt  }
0x4c: {  	_ =	shalt  }
0x4d: {  	_ =	shalt  }
0x4e: {  	_ =	shalt  }
0x4f: {  	_ =	shalt  }
0x50: {  	_ =	shalt  }
0x51: {  	_ =	shalt  }
0x52: {  	_ =	shalt  }
0x53: {  	_ =	shalt  }
0x54: {  	_ =	shalt  }
0x55: {  	_ =	shalt  }
0x56: {  	_ =	shalt  }
0x57: {  	_ =	shalt  }
0x58: {  	_ =	shalt  }
0x59: {  	_ =	shalt  }
0x5a: {  	_ =	shalt  }
0x5b: {  	_ =	shalt  }
0x5c: {  	_ =	shalt  }
0x5d: {  	_ =	shalt  }
0x5e: {  	_ =	shalt  }
0x5f: {  	_ =	shalt  }
0x60: {  	_ =	shalt  }
0x61: {  	_ =	shalt  }
0x62: {  	_ =	shalt  }
0x63: {  	_ =	shalt  }
0x64: {  	_ =	shalt  }
0x65: {  	_ =	shalt  }
0x66: {  	_ =	shalt  }
0x67: {  	_ =	shalt  }
0x68: {  	_ =	shalt  }
0x69: {  	_ =	shalt  }
0x6a: {  	_ =	shalt  }
0x6b: {  	_ =	shalt  }
0x6c: {  	_ =	shalt  }
0x6d: {  	_ =	shalt  }
0x6e: {  	_ =	shalt  }
0x6f: {  	_ =	shalt  }
0x70: {  	_ =	shalt  }
0x71: {  	_ =	shalt  }
0x72: {  	_ =	shalt  }
0x73: {  	_ =	shalt  }
0x74: {  	_ =	shalt  }
0x75: {  	_ =	shalt  }
0x76: {  	_ =	shalt  }
0x77: {  	_ =	shalt  }
0x78: {  	_ =	shalt  }
0x79: {  	_ =	shalt  }
0x7a: {  	_ =	shalt  }
0x7b: {  	_ =	shalt  }
0x7c: {  	_ =	shalt  }
0x7d: {  	_ =	shalt  }
0x7e: {  	_ =	shalt  }
0x7f: {  	_ =	shalt  }
0x80: {  	_ =	shalt  }
0x81: {  	_ =	shalt  }
0x82: {  	_ =	shalt  }
0x83: {  	_ =	shalt  }
0x84: {  	_ =	shalt  }
0x85: {  	_ =	shalt  }
0x86: {  	_ =	shalt  }
0x87: {  	_ =	shalt  }
.Lfunc_end0:
.L_simem_size_0:
called_computation_lowered:
.L_overlay_start_0:
0x88: {  	s2 =	sld [smem:$0x3FD9]  }
0x89: {  	s3 =	sld [smem:$0x3FFE];
	_ =	sdelay $0x1  }
0x8a: {  	s1 =	srdreg.scid  }
0x8b: {  	s0 =	sand.u32 $0x1, s1  }
0x8c: {  	s18 =	sshll.u32 s0, $0xA;
	s2 =	sadd.s32 s3, s2  }
0x8d: {  	s2 =	sadd.s32 s2, s18  }
0x8e: {  	[smem:$0x3FC6] =	sst s2  }
0x8f: {  	_ = 	snop  }
0x90: {  	s2 =	sld [smem:$0x3FC9]  }
0x91: {  	s19 =	sld [smem:$0x3FC8]  }
0x92: {  	s4 =	sld [smem:$0x3FD0];
	(tm) =	ssettm $0x1  }
0x93: {  	s5 =	sld [smem:$0x3FFB];
	_ =	sdelay $0x3  }
0x94: {  	_ =	strace s5  }
0x95: {  	s5 =	sld [smem:$0x3FFC];
	_ =	sdelay $0x3  }
0x96: {  	_ =	strace s5  }
0x97: {  	s5 =	sld [smem:$0x3FFD];
	_ =	sdelay $0x3  }
0x98: {  	_ =	strace s5  }
0x99: {  	_ =	strace $0x8FFFFFFF  }
0x9a: {  	s20 =	sld [smem:$0x3FDB];
	_ =	sdelay $0x1  }
0x9b: {  	s6 =	simm.s32 $_scs_section_size  }
0x9c: {  	s7 =	simm.s32 $_size__tile_overlayer_lowered;
	s8 =	simm.s32 $_tile_overlayer_lowered  }
0x9d: {  	s23 =	simm.s32 $0x1BFF;
	s22 =	sshll.u32 s8, $0x1;
	s5 =	sadd.s32 s6, s20  }
0x9e: {  	s9 =	simm.s32 $0x0;
	s21 =	sshll.u32 s7, $0x1;
	s7 =	sadd.s32 s22, s5  }
0x9f: {  	[timem:s9], [sflag:s23] =	dma.local [hbm:s7], s21  }
0xa0: {  	_ =	swait.ge [sflag:s23], s21  }
0xa1: {  	s6 =	ssub.s32 $0x0, s21;
	[sflag:s23] =	ssyncset.done $0x0  }
0xa2: {  	[sflag:s23] =	ssyncadd.s32 s6;
	_ =	sdelay $0x1  }
0xa3: {  	s24 =	simm.s32 $0x1B8B  }
0xa4: {  	_ =	swait.ge [sflag:s24], $0x1  }
0xa5: {  	[sflag:s24] =	ssyncset.done $0x0  }
0xa6: {  	s25 =	simm.s32 $0x1B8E;
	[sflag:s24] =	ssyncadd.s32 $0xFFFFFFFF  }
0xa7: {  	s26 =	simm.s32 $execute0_lowered;
	[smem:$0x3FD2] =	sst s25  }
0xa8: {  	s6 =	sshll.u32 s26, $0x1;
	_ =	strace $0x80000046;
	[dreg:$0x1] =	wrdreg $0xFFFFFFFF  }
0xa9: {  	s28 =	simm.s32 $_size_execute0_lowered;
	s5 =	sadd.s32 s5, s6;
	[dreg:$0x0] =	wrdreg $0x0  }
0xaa: {  	s6 =	sshll.u32 s28, $0x1;
	[dreg:$0x2] =	wrdreg s5  }
0xab: {  	[dreg:$0x3] =	wrdreg s6  }
0xac: {  	[dreg:$0x4] =	wrdreg $0xC0  }
0xad: {  	_ =	task [dreg:s9], $0x5FFFF  }
0xae: {  	[dreg:$0x1] =	wrdreg $0xFFFFFFFF  }
0xaf: {  	[dreg:$0x0] =	wrdreg $0x60  }
0xb0: {  	[dreg:$0x2] =	wrdreg s2  }
0xb1: {  	[dreg:$0x3] =	wrdreg s19  }
0xb2: {  	[dreg:$0x4] =	wrdreg s4  }
0xb3: {  	[dreg:$0x5] =	wrdreg $0x9  }
0xb4: {  	_ =	task.clear_ibuf [dreg:s9], $0x6FFFF;
	_ =	strace $0x90000046  }
0xb5: {  	s29 =	simm.s32 $0x9;
	_ =	strace $0x80000048  }
0xb6: {  	_ =	swait.ge [sflag:s29], $0x1  }
0xb7: {  	[sflag:s29] =	ssyncadd.s32 $0xFFFFFFFF  }
0xb8: {  	_ =	strace $0x90000048  }
0xb9: {  	_ =	sfence  }
0xba: {  	s30 =	sld [smem:$0x0];
	_ =	sdelay $0x2  }
0xbb: {  	s31 =	sshll.u32 s1, $0xD;
	s1 =	sshrl.u32 s1, $0x2  }
0xbc: {  	s3 =	sand.u32 $0x4000, s31;
	s1 =	sadd.s32 s1, s30  }
0xbd: {  	s0 =	sor.u32 s3, s0;
	s1 =	sshll.u32 s1, $0x11  }
0xbe: {  	s0 =	sor.u32 s1, s0  }
0xbf: {  	s0 =	sadd.s32 $0x8F2B, s0  }
0xc0: {  	[sflag:s0] =	ssyncadd.remote.s32 $0x1  }
0xc1: {  	_ =	sfence.sel $0xFFFF  }
0xc2: {  	[dreg:$0x0] =	wrdreg $0xFFFFFFFF;
	(pc) =	sbr.abs _section_cstart, $3  }
0xc3: {  	[dreg:$0x1] =	wrdreg $0xFFFFFFFF  }
0xc4: {  	_ =	task.clear_ibuf [dreg:s9], $0x2FFFF;
	_ =	strace $0x9FFFFFFF  }
0xc5: {  	(tm) =	ssettm $0x7FFFFFFF  }
tec
execute0_lowered:
.L_overlay_start_1:
0x0: {  	(tag) =	ssettag $0x1  }
0x1: {  	s1 =	rddreg [dreg:$0x0];
	s0 =	srdreg.scid  }
0x2: {  	s2 =	rddreg [dreg:$0x1];
	s10 =	stileid.u32  }
0x3: {  	s4 =	rddreg [dreg:$0x2];
	s3 =	simm.s32 $0x0;
	s17 =	simm.s32 $0x9A00  }
0x4: {  	s18 =	simm.s32 $0xA200;
	s19 =	simm.s32 $0xAA00;
	s20 =	simm.s32 $0xB200  }
0x5: {  	s21 =	simm.s32 $0xBA00;
	s22 =	simm.s32 $0xC200;
	s23 =	simm.s32 $0xCA00  }
0x6: {  	s24 =	simm.s32 $0xD200;
	s28 =	simm.s32 $0xEA00;
	s29 =	simm.s32 $0xF200  }
0x7: {  	s30 =	simm.s32 $0xFA00;
	s31 =	simm.s32 $0x1;
	s14 =	simm.s32 $0x0  }
0x8: {  	s0 =	sand.u32 $0x1, s0;
	s5 =	sshll.u32 s10, $0xA;
	[smem:$0x7FF] =	sst s3  }
0x9: {  	s9 =	sadd.s32 $0x500, s1;
	s25 =	sshll.u32 s10, $0x12;
	s10 =	sadd.s32 $0x600, s1  }
0xa: {  	s11 =	sadd.s32 $0x700, s1;
	s6 =	sshll.u32 s0, $0x9;
	s7 =	ssub.s32 $0x2, s0  }
0xb: {  	_ =	strace $0x80000047;
	s13 =	sand.u32 $0x3000, s5;
	s0 =	sshll.u32 s0, $0x11  }
0xc: {  	s6 =	sor.u32 s6, s5;
	s8 =	sshrl.u32 s7, $0x1;
	s5 =	sadd.s32 $0x100, s1  }
0xd: {  	v0 =	vmov s13;
	s13 =	simm.s32 $0x4;
	s6 =	sshrl.u32 s6, $0x3;
	s12 =	ssub.s32 s7, s8  }
0xe: {  	s7 =	sadd.s32 $0x300, s1;
	s8 =	sadd.s32 $0x400, s1;
	s6 =	sand.u32 $0x1C0, s6  }
.Ltmp0:
0xf: {  	s26 =	smax.u32 s12, $0x1;
	s2 =	sadd.s32 s2, s6;
	(pc) =	sbr.rel .LBB2_1-.Ltmp0, $4  }
0x10: {  	s12 =	simm.s32 $0x2;
	[dreg:$0x4] =	wrdreg s2;
	s2 =	sadd.s32 s25, s4  }
0x11: {  	v3 =	vlaneseq.u32;
	s6 =	sadd.s32 $0x200, s1;
	[dreg:$0x5] =	wrdreg s26;
	s0 =	sadd.s32 s0, s2  }
0x12: {  	vm0 =	vmmov $0xffff;
	v2 =	vshrl.u32 v3, $0x3;
	s26 =	simm.s32 $0xE200;
	s25 =	simm.s32 $0xDA00;
	s0 =	sadd.s32 $0x1000, s0  }
0x13: {  	v1 =	vand.u32 $0x7, v3;
	v3 =	vor.u32 $0x8, v3;
	v2 =	vmul.u32 $0x8, v2;
	s4 =	simm.s32 $0x3;
	s2 =	simm.s32 $0x8200;
	[dreg:$0x6] =	wrdreg s0  }
.LBB2_4:
0x14: {  	s14 =	rddreg [dreg:$0x7]  }
0x15: {  	s0 =	rddreg [dreg:$0x5];
	s14 =	sadd.s32 $0x1, s14  }
0x16: {  	p0 =	sne.s32 s14, s0  }
.Ltmp1:
0x17: {  	_ = 	snop;
	(pc) =	sbr.rel @!p0 .LBB2_5-.Ltmp1, $1  }
0x18: {  	_ =	sdelay $0x3  }
.LBB2_1:
0x19: {  	[dreg:$0x7] =	wrdreg s14  }
0x1a: {  	s0 =	rddreg [dreg:$0x4];
	s16 =	simm.s32 $0x5  }
0x1b: {  	[tilespmem:s3], [sflag:$0x5] =	stream.linear.gather [hbm4b:s0+s3], $0x200, $0x38;
	[tilespmem:$0x10200] =	vst v63  }
0x1c: {  	_ =	swait.ge [sflag:s16], $0x200  }
0x1d: {  	[sflag:s16] =	ssyncset.done $0x0  }
0x1e: {  	[sflag:s16] =	ssyncadd.s32 $0xFFFFFE00  }
0x1f: {  	v4 =	vld [tilespmem:$0x0]  }
0x20: {  	v5 =	vld [tilespmem:$0x10]  }
0x21: {  	v6 =	vld [tilespmem:$0x20]  }
0x22: {  	v7 =	vld [tilespmem:$0x30]  }
0x23: {  	v8 =	vld [tilespmem:$0x40]  }
0x24: {  	v10 =	vld [tilespmem:$0x50];
	v9 =	vadd.s32 v0, v4  }
0x25: {  	v11 =	vld [tilespmem:$0x60];
	v5 =	vadd.s32 v0, v5;
	[tilespmem:$0x0] =	vst v9  }
0x26: {  	v37 =	vld [tilespmem:$0x70];
	[tilespmem:$0x10] =	vst v5;
	v5 =	vadd.s32 v0, v6  }
0x27: {  	v38 =	vld [tilespmem:$0x80];
	[tilespmem:$0x20] =	vst v5;
	v5 =	vadd.s32 v0, v7  }
0x28: {  	v39 =	vld [tilespmem:$0x90];
	[tilespmem:$0x30] =	vst v5;
	v5 =	vadd.s32 v0, v8  }
0x29: {  	v40 =	vld [tilespmem:$0xA0];
	[tilespmem:$0x40] =	vst v5;
	v5 =	vadd.s32 v0, v10  }
0x2a: {  	v41 =	vld [tilespmem:$0xB0];
	[tilespmem:$0x50] =	vst v5;
	v5 =	vadd.s32 v0, v11  }
0x2b: {  	v42 =	vld [tilespmem:$0xC0];
	[tilespmem:$0x60] =	vst v5;
	v5 =	vadd.s32 v0, v37  }
0x2c: {  	v43 =	vld [tilespmem:$0xD0];
	[tilespmem:$0x70] =	vst v5;
	v5 =	vadd.s32 v0, v38  }
0x2d: {  	v44 =	vld [tilespmem:$0xE0];
	[tilespmem:$0x80] =	vst v5;
	v5 =	vadd.s32 v0, v39  }
0x2e: {  	v45 =	vld [tilespmem:$0xF0];
	[tilespmem:$0x90] =	vst v5;
	v5 =	vadd.s32 v0, v40  }
0x2f: {  	v46 =	vld [tilespmem:$0x100];
	[tilespmem:$0xA0] =	vst v5;
	v5 =	vadd.s32 v0, v41  }
0x30: {  	v47 =	vld [tilespmem:$0x110];
	[tilespmem:$0xB0] =	vst v5;
	v5 =	vadd.s32 v0, v42  }
0x31: {  	v48 =	vld [tilespmem:$0x120];
	[tilespmem:$0xC0] =	vst v5;
	v5 =	vadd.s32 v0, v43  }
0x32: {  	v49 =	vld [tilespmem:$0x130];
	[tilespmem:$0xD0] =	vst v5;
	v5 =	vadd.s32 v0, v44  }
0x33: {  	v50 =	vld [tilespmem:$0x140];
	[tilespmem:$0xE0] =	vst v5;
	v5 =	vadd.s32 v0, v45  }
0x34: {  	v51 =	vld [tilespmem:$0x150];
	[tilespmem:$0xF0] =	vst v5;
	v5 =	vadd.s32 v0, v46  }
0x35: {  	v52 =	vld [tilespmem:$0x160];
	[tilespmem:$0x100] =	vst v5;
	v5 =	vadd.s32 v0, v47  }
0x36: {  	v53 =	vld [tilespmem:$0x170];
	[tilespmem:$0x110] =	vst v5;
	v5 =	vadd.s32 v0, v48  }
0x37: {  	v54 =	vld [tilespmem:$0x180];
	[tilespmem:$0x120] =	vst v5;
	v5 =	vadd.s32 v0, v49  }
0x38: {  	v55 =	vld [tilespmem:$0x190];
	[tilespmem:$0x130] =	vst v5;
	v5 =	vadd.s32 v0, v50  }
0x39: {  	v56 =	vld [tilespmem:$0x1A0];
	[tilespmem:$0x140] =	vst v5;
	v5 =	vadd.s32 v0, v51  }
0x3a: {  	v57 =	vld [tilespmem:$0x1B0];
	[tilespmem:$0x150] =	vst v5;
	v5 =	vadd.s32 v0, v52  }
0x3b: {  	v58 =	vld [tilespmem:$0x1C0];
	v9 =	vshll.u32 v9, $0x4;
	[tilespmem:$0x160] =	vst v5;
	v5 =	vadd.s32 v0, v53  }
0x3c: {  	v59 =	vld [tilespmem:$0x1D0];
	v4 =	vand.u32 $0x7, v4;
	v9 =	vand.u32 $0xFFFFFF80, v9;
	[tilespmem:$0x170] =	vst v5;
	v5 =	vadd.s32 v0, v54  }
0x3d: {  	v60 =	vld [tilespmem:$0x1E0];
	v4 =	vor.u32 v4, v9;
	[tilespmem:$0x180] =	vst v5;
	v5 =	vadd.s32 v0, v55  }
0x3e: {  	v61 =	vld [tilespmem:$0x1F0];
	v62 =	vperm.xlane v4, v1;
	[tilespmem:$0x190] =	vst v5;
	v5 =	vadd.s32 v0, v56  }
0x3f: {  	[tilespmem:$0x1A0] =	vst v5;
	v5 =	vadd.s32 v0, v57  }
0x40: {  	v63 =	vadd.s32 v2, v62;
	[tilespmem:$0x1B0] =	vst v5;
	v5 =	vadd.s32 v0, v58  }
0x41: {  	[tilespmem:$0x1C0] =	vst v5;
	v5 =	vadd.s32 v0, v59  }
0x42: {  	[tilespmem:$0x1D0] =	vst v5;
	v5 =	vadd.s32 v0, v60  }
0x43: {  	[tilespmem:$0x1E0] =	vst v5;
	v5 =	vadd.s32 v0, v61  }
0x44: {  	s14 =	simm.s32 $0x200;
	[tilespmem:$0x1F0] =	vst v5  }
0x45: {  	[tilespmem:s14], [sflag:$0x1] =	stream.indirect_vreg.gather [hbm4b:s1+s3], $0x80, v63, vm0, $0xb8;
	[tilespmem:$0x10200] =	vst v63  }
0x46: {  	s15 =	simm.s32 $0xA00  }
0x47: {  	[tilespmem:s15], [sflag:$0x1] =	stream.indirect_vreg.gather [hbm4b:s5+s3], $0x80, v63, vm0, $0xb8;
	[tilespmem:$0x10200] =	vst v63  }
0x48: {  	s16 =	simm.s32 $0x1200  }
0x49: {  	[tilespmem:s16], [sflag:$0x1] =	stream.indirect_vreg.gather [hbm4b:s6+s3], $0x80, v63, vm0, $0xb8;
	[tilespmem:$0x10200] =	vst v63  }
0x4a: {  	s14 =	simm.s32 $0x1A00  }
0x4b: {  	[tilespmem:s14], [sflag:$0x1] =	stream.indirect_vreg.gather [hbm4b:s7+s3], $0x80, v63, vm0, $0xb8;
	[tilespmem:$0x10200] =	vst v63  }
0x4c: {  	s15 =	simm.s32 $0x2200  }
0x4d: {  	[tilespmem:s15], [sflag:$0x1] =	stream.indirect_vreg.gather [hbm4b:s8+s3], $0x80, v63, vm0, $0xb8;
	[tilespmem:$0x10200] =	vst v63  }
0x4e: {  	v4 =	vperm.xlane v4, v3;
	s16 =	simm.s32 $0x2A00  }
0x4f: {  	[tilespmem:s16], [sflag:$0x1] =	stream.indirect_vreg.gather [hbm4b:s9+s3], $0x80, v63, vm0, $0xb8;
	[tilespmem:$0x10200] =	vst v63  }
0x50: {  	v4 =	vadd.s32 v2, v4;
	s14 =	simm.s32 $0x3200  }
0x51: {  	[tilespmem:s14], [sflag:$0x1] =	stream.indirect_vreg.gather [hbm4b:s10+s3], $0x80, v63, vm0, $0xb8;
	[tilespmem:$0x10200] =	vst v63  }
0x52: {  	s15 =	simm.s32 $0x3A00  }
0x53: {  	[tilespmem:s15], [sflag:$0x1] =	stream.indirect_vreg.gather [hbm4b:s11+s3], $0x80, v63, vm0, $0xb8;
	[tilespmem:$0x10200] =	vst v63  }
0x54: {  	s16 =	simm.s32 $0x4200  }
0x55: {  	[tilespmem:s16], [sflag:$0x1] =	stream.indirect_vreg.gather [hbm4b:s1+s3], $0x80, v4, vm0, $0xb8;
	[tilespmem:$0x10200] =	vst v63  }
0x56: {  	s14 =	simm.s32 $0x4A00  }
0x57: {  	[tilespmem:s14], [sflag:$0x1] =	stream.indirect_vreg.gather [hbm4b:s5+s3], $0x80, v4, vm0, $0xb8;
	[tilespmem:$0x10200] =	vst v63  }
0x58: {  	s15 =	simm.s32 $0x5200  }
0x59: {  	[tilespmem:s15], [sflag:$0x1] =	stream.indirect_vreg.gather [hbm4b:s6+s3], $0x80, v4, vm0, $0xb8;
	[tilespmem:$0x10200] =	vst v63  }
0x5a: {  	s16 =	simm.s32 $0x5A00  }
0x5b: {  	[tilespmem:s16], [sflag:$0x1] =	stream.indirect_vreg.gather [hbm4b:s7+s3], $0x80, v4, vm0, $0xb8;
	[tilespmem:$0x10200] =	vst v63  }
0x5c: {  	s14 =	simm.s32 $0x6200  }
0x5d: {  	[tilespmem:s14], [sflag:$0x1] =	stream.indirect_vreg.gather [hbm4b:s8+s3], $0x80, v4, vm0, $0xb8;
	[tilespmem:$0x10200] =	vst v63  }
0x5e: {  	s15 =	simm.s32 $0x6A00  }
0x5f: {  	[tilespmem:s15], [sflag:$0x1] =	stream.indirect_vreg.gather [hbm4b:s9+s3], $0x80, v4, vm0, $0xb8;
	[tilespmem:$0x10200] =	vst v63  }
0x60: {  	s16 =	simm.s32 $0x7200  }
0x61: {  	[tilespmem:s16], [sflag:$0x1] =	stream.indirect_vreg.gather [hbm4b:s10+s3], $0x80, v4, vm0, $0xb8;
	[tilespmem:$0x10200] =	vst v63  }
0x62: {  	s14 =	simm.s32 $0x7A00  }
0x63: {  	[tilespmem:s14], [sflag:$0x1] =	stream.indirect_vreg.gather [hbm4b:s11+s3], $0x80, v4, vm0, $0xb8;
	[tilespmem:$0x10200] =	vst v63  }
0x64: {  	v4 =	vld [tilespmem:$0x10];
	_ =	sdelay $0x4  }
0x65: {  	v5 =	vshll.u32 v4, $0x4  }
0x66: {  	v4 =	vand.u32 $0x7, v4;
	v5 =	vand.u32 $0xFFFFFF80, v5  }
0x67: {  	v4 =	vor.u32 v4, v5  }
0x68: {  	v5 =	vperm.xlane v4, v1;
	_ =	sdelay $0x1  }
0x69: {  	v5 =	vadd.s32 v2, v5;
	_ =	sdelay $0x4  }
0x6a: {  	[tilespmem:s2], [sflag:$0x2] =	stream.indirect_vreg.gather [hbm4b:s1+s3], $0x80, v5, vm0, $0xb8;
	[tilespmem:$0x10200] =	vst v63  }
0x6b: {  	s15 =	simm.s32 $0x8A00  }
0x6c: {  	[tilespmem:s15], [sflag:$0x2] =	stream.indirect_vreg.gather [hbm4b:s5+s3], $0x80, v5, vm0, $0xb8;
	[tilespmem:$0x10200] =	vst v63  }
0x6d: {  	s16 =	simm.s32 $0x9200  }
0x6e: {  	[tilespmem:s16], [sflag:$0x2] =	stream.indirect_vreg.gather [hbm4b:s6+s3], $0x80, v5, vm0, $0xb8;
	[tilespmem:$0x10200] =	vst v63  }
0x6f: {  	_ = 	snop  }
0x70: {  	[tilespmem:s17], [sflag:$0x2] =	stream.indirect_vreg.gather [hbm4b:s7+s3], $0x80, v5, vm0, $0xb8;
	[tilespmem:$0x10200] =	vst v63  }
0x71: {  	_ = 	snop  }
0x72: {  	[tilespmem:s18], [sflag:$0x2] =	stream.indirect_vreg.gather [hbm4b:s8+s3], $0x80, v5, vm0, $0xb8;
	[tilespmem:$0x10200] =	vst v63  }
0x73: {  	v4 =	vperm.xlane v4, v3  }
0x74: {  	[tilespmem:s19], [sflag:$0x2] =	stream.indirect_vreg.gather [hbm4b:s9+s3], $0x80, v5, vm0, $0xb8;
	[tilespmem:$0x10200] =	vst v63  }
0x75: {  	v4 =	vadd.s32 v2, v4  }
0x76: {  	[tilespmem:s20], [sflag:$0x2] =	stream.indirect_vreg.gather [hbm4b:s10+s3], $0x80, v5, vm0, $0xb8;
	[tilespmem:$0x10200] =	vst v63  }
0x77: {  	_ = 	snop  }
0x78: {  	[tilespmem:s21], [sflag:$0x2] =	stream.indirect_vreg.gather [hbm4b:s11+s3], $0x80, v5, vm0, $0xb8;
	[tilespmem:$0x10200] =	vst v63  }
0x79: {  	_ = 	snop  }
0x7a: {  	[tilespmem:s22], [sflag:$0x2] =	stream.indirect_vreg.gather [hbm4b:s1+s3], $0x80, v4, vm0, $0xb8;
	[tilespmem:$0x10200] =	vst v63  }
0x7b: {  	_ = 	snop  }
0x7c: {  	[tilespmem:s23], [sflag:$0x2] =	stream.indirect_vreg.gather [hbm4b:s5+s3], $0x80, v4, vm0, $0xb8;
	[tilespmem:$0x10200] =	vst v63  }
0x7d: {  	_ = 	snop  }
0x7e: {  	[tilespmem:s24], [sflag:$0x2] =	stream.indirect_vreg.gather [hbm4b:s6+s3], $0x80, v4, vm0, $0xb8;
	[tilespmem:$0x10200] =	vst v63  }
0x7f: {  	_ = 	snop  }
0x80: {  	[tilespmem:s25], [sflag:$0x2] =	stream.indirect_vreg.gather [hbm4b:s7+s3], $0x80, v4, vm0, $0xb8;
	[tilespmem:$0x10200] =	vst v63  }
0x81: {  	_ = 	snop  }
0x82: {  	[tilespmem:s26], [sflag:$0x2] =	stream.indirect_vreg.gather [hbm4b:s8+s3], $0x80, v4, vm0, $0xb8;
	[tilespmem:$0x10200] =	vst v63  }
0x83: {  	_ = 	snop  }
0x84: {  	[tilespmem:s28], [sflag:$0x2] =	stream.indirect_vreg.gather [hbm4b:s9+s3], $0x80, v4, vm0, $0xb8;
	[tilespmem:$0x10200] =	vst v63  }
0x85: {  	_ = 	snop  }
0x86: {  	[tilespmem:s29], [sflag:$0x2] =	stream.indirect_vreg.gather [hbm4b:s10+s3], $0x80, v4, vm0, $0xb8;
	[tilespmem:$0x10200] =	vst v63  }
0x87: {  	s14 =	simm.s32 $0x0;
	s15 =	rddreg [dreg:$0x6]  }
0x88: {  	[tilespmem:s30], [sflag:$0x2] =	stream.indirect_vreg.gather [hbm4b:s11+s3], $0x80, v4, vm0, $0xb8;
	[tilespmem:$0x10200] =	vst v63  }
.LBB2_2:
0x89: {  	_ =	swait.ge [sflag:s31], $0x8000  }
0x8a: {  	[sflag:s31] =	ssyncset.done $0x0  }
0x8b: {  	s0 =	sadd.s32 $0xFFFFF000, s15;
	s16 =	simm.s32 $0x200;
	[sflag:s31] =	ssyncadd.s32 $0xFFFF8000  }
0x8c: {  	[hbm4b:s0+s3] =	stream.linear.scatter [tilespmem:s16], [sflag:$0x3], $0x8000, $0x38;
	[tilespmem:$0x10200] =	vst v63  }
0x8d: {  	_ =	swait.ge [sflag:s4], $0x8000  }
0x8e: {  	p0 =	seq.s32 s14, $0x780;
	[sflag:s4] =	ssyncset.done $0x0  }
0x8f: {  	s0 =	sshra.s32 @!p0 s14, $0x2;
	[sflag:s4] =	ssyncadd.s32 $0xFFFF8000  }
0x90: {  	v4 =	vld @!p0 [tilespmem:s0+$0x20];
	_ =	sdelay $0x4  }
0x91: {  	v5 =	vshll.u32 @!p0 v4, $0x4  }
0x92: {  	v6 =	vlaneseq.u32 @!p0;
	v4 =	vand.u32 @!p0 $0x7, v4;
	v5 =	vand.u32 @!p0 $0xFFFFFF80, v5  }
0x93: {  	v7 =	vshrl.u32 @!p0 v6, $0x3;
	v4 =	vor.u32 @!p0 v4, v5;
	v5 =	vand.u32 @!p0 $0x7, v6  }
0x94: {  	v7 =	vmul.u32 @!p0 $0x8, v7;
	v5 =	vperm.xlane @!p0 v4, v5;
	_ =	sdelay $0x1  }
0x95: {  	v5 =	vadd.s32 @!p0 v7, v5;
	_ =	sdelay $0x3  }
0x96: {  	vm1 =	vmmov @!p0 $0xffff;
	s16 =	simm.s32 @!p0 $0x200;
	s0 =	simm.s32 @!p0 $0x0  }
0x97: {  	[tilespmem:s16], [sflag:$0x1] =	stream.indirect_vreg.gather @!p0 [hbm4b:s1+s0], $0x80, v5, vm1, $0xb8;
	[tilespmem:$0x10200] =	vst v63  }
0x98: {  	s16 =	simm.s32 @!p0 $0xA00  }
0x99: {  	[tilespmem:s16], [sflag:$0x1] =	stream.indirect_vreg.gather @!p0 [hbm4b:s5+s0], $0x80, v5, vm1, $0xb8;
	[tilespmem:$0x10200] =	vst v63  }
0x9a: {  	s16 =	simm.s32 @!p0 $0x1200  }
0x9b: {  	[tilespmem:s16], [sflag:$0x1] =	stream.indirect_vreg.gather @!p0 [hbm4b:s6+s0], $0x80, v5, vm1, $0xb8;
	[tilespmem:$0x10200] =	vst v63  }
0x9c: {  	s16 =	simm.s32 @!p0 $0x1A00  }
0x9d: {  	[tilespmem:s16], [sflag:$0x1] =	stream.indirect_vreg.gather @!p0 [hbm4b:s7+s0], $0x80, v5, vm1, $0xb8;
	[tilespmem:$0x10200] =	vst v63  }
0x9e: {  	s16 =	simm.s32 @!p0 $0x2200  }
0x9f: {  	v6 =	vor.u32 @!p0 $0x8, v6;
	[tilespmem:s16], [sflag:$0x1] =	stream.indirect_vreg.gather @!p0 [hbm4b:s8+s0], $0x80, v5, vm1, $0xb8;
	[tilespmem:$0x10200] =	vst v63  }
0xa0: {  	v4 =	vperm.xlane @!p0 v4, v6;
	s16 =	simm.s32 @!p0 $0x2A00  }
0xa1: {  	[tilespmem:s16], [sflag:$0x1] =	stream.indirect_vreg.gather @!p0 [hbm4b:s9+s0], $0x80, v5, vm1, $0xb8;
	[tilespmem:$0x10200] =	vst v63  }
0xa2: {  	v4 =	vadd.s32 @!p0 v7, v4;
	s16 =	simm.s32 @!p0 $0x3200  }
0xa3: {  	[tilespmem:s16], [sflag:$0x1] =	stream.indirect_vreg.gather @!p0 [hbm4b:s10+s0], $0x80, v5, vm1, $0xb8;
	[tilespmem:$0x10200] =	vst v63  }
0xa4: {  	s16 =	simm.s32 @!p0 $0x3A00  }
0xa5: {  	[tilespmem:s16], [sflag:$0x1] =	stream.indirect_vreg.gather @!p0 [hbm4b:s11+s0], $0x80, v5, vm1, $0xb8;
	[tilespmem:$0x10200] =	vst v63  }
0xa6: {  	s16 =	simm.s32 @!p0 $0x4200  }
0xa7: {  	[tilespmem:s16], [sflag:$0x1] =	stream.indirect_vreg.gather @!p0 [hbm4b:s1+s0], $0x80, v4, vm1, $0xb8;
	[tilespmem:$0x10200] =	vst v63  }
0xa8: {  	s16 =	simm.s32 @!p0 $0x4A00  }
0xa9: {  	[tilespmem:s16], [sflag:$0x1] =	stream.indirect_vreg.gather @!p0 [hbm4b:s5+s0], $0x80, v4, vm1, $0xb8;
	[tilespmem:$0x10200] =	vst v63  }
0xaa: {  	s16 =	simm.s32 @!p0 $0x5200  }
0xab: {  	[tilespmem:s16], [sflag:$0x1] =	stream.indirect_vreg.gather @!p0 [hbm4b:s6+s0], $0x80, v4, vm1, $0xb8;
	[tilespmem:$0x10200] =	vst v63  }
0xac: {  	s16 =	simm.s32 @!p0 $0x5A00  }
0xad: {  	[tilespmem:s16], [sflag:$0x1] =	stream.indirect_vreg.gather @!p0 [hbm4b:s7+s0], $0x80, v4, vm1, $0xb8;
	[tilespmem:$0x10200] =	vst v63  }
0xae: {  	s16 =	simm.s32 @!p0 $0x6200  }
0xaf: {  	[tilespmem:s16], [sflag:$0x1] =	stream.indirect_vreg.gather @!p0 [hbm4b:s8+s0], $0x80, v4, vm1, $0xb8;
	[tilespmem:$0x10200] =	vst v63  }
0xb0: {  	s16 =	simm.s32 @!p0 $0x6A00  }
0xb1: {  	[tilespmem:s16], [sflag:$0x1] =	stream.indirect_vreg.gather @!p0 [hbm4b:s9+s0], $0x80, v4, vm1, $0xb8;
	[tilespmem:$0x10200] =	vst v63  }
0xb2: {  	s16 =	simm.s32 @!p0 $0x7200  }
0xb3: {  	[tilespmem:s16], [sflag:$0x1] =	stream.indirect_vreg.gather @!p0 [hbm4b:s10+s0], $0x80, v4, vm1, $0xb8;
	[tilespmem:$0x10200] =	vst v63  }
0xb4: {  	s16 =	simm.s32 @!p0 $0x7A00  }
0xb5: {  	[tilespmem:s16], [sflag:$0x1] =	stream.indirect_vreg.gather @!p0 [hbm4b:s11+s0], $0x80, v4, vm1, $0xb8;
	[tilespmem:$0x10200] =	vst v63  }
0xb6: {  	_ =	swait.ge [sflag:s12], $0x8000  }
0xb7: {  	[sflag:s12] =	ssyncset.done $0x0  }
.Ltmp2:
0xb8: {  	[sflag:s12] =	ssyncadd.s32 $0xFFFF8000;
	(pc) =	sbr.rel @p0 .LBB2_4-.Ltmp2, $4  }
0xb9: {  	[hbm4b:s15+s3] =	stream.linear.scatter [tilespmem:s2], [sflag:$0x4], $0x8000, $0x38;
	[tilespmem:$0x10200] =	vst v63  }
0xba: {  	_ =	swait.ge [sflag:s13], $0x8000  }
0xbb: {  	[sflag:s13] =	ssyncset.done $0x0  }
0xbc: {  	[sflag:s13] =	ssyncadd.s32 $0xFFFF8000  }
0xbd: {  	s0 =	sshra.s32 s14, $0x2  }
0xbe: {  	v4 =	vld [tilespmem:s0+$0x30];
	_ =	sdelay $0x4  }
0xbf: {  	v5 =	vshll.u32 v4, $0x4  }
0xc0: {  	v4 =	vand.u32 $0x7, v4;
	v5 =	vand.u32 $0xFFFFFF80, v5  }
0xc1: {  	v4 =	vor.u32 v4, v5  }
0xc2: {  	v5 =	vperm.xlane v4, v1;
	_ =	sdelay $0x1  }
0xc3: {  	v5 =	vadd.s32 v2, v5;
	_ =	sdelay $0x4  }
0xc4: {  	[tilespmem:s2], [sflag:$0x2] =	stream.indirect_vreg.gather [hbm4b:s1+s3], $0x80, v5, vm0, $0xb8;
	[tilespmem:$0x10200] =	vst v63  }
0xc5: {  	s16 =	simm.s32 $0x8A00  }
0xc6: {  	[tilespmem:s16], [sflag:$0x2] =	stream.indirect_vreg.gather [hbm4b:s5+s3], $0x80, v5, vm0, $0xb8;
	[tilespmem:$0x10200] =	vst v63  }
0xc7: {  	s16 =	simm.s32 $0x9200  }
0xc8: {  	[tilespmem:s16], [sflag:$0x2] =	stream.indirect_vreg.gather [hbm4b:s6+s3], $0x80, v5, vm0, $0xb8;
	[tilespmem:$0x10200] =	vst v63  }
0xc9: {  	_ = 	snop  }
0xca: {  	[tilespmem:s17], [sflag:$0x2] =	stream.indirect_vreg.gather [hbm4b:s7+s3], $0x80, v5, vm0, $0xb8;
	[tilespmem:$0x10200] =	vst v63  }
0xcb: {  	_ = 	snop  }
0xcc: {  	[tilespmem:s18], [sflag:$0x2] =	stream.indirect_vreg.gather [hbm4b:s8+s3], $0x80, v5, vm0, $0xb8;
	[tilespmem:$0x10200] =	vst v63  }
0xcd: {  	v4 =	vperm.xlane v4, v3  }
0xce: {  	[tilespmem:s19], [sflag:$0x2] =	stream.indirect_vreg.gather [hbm4b:s9+s3], $0x80, v5, vm0, $0xb8;
	[tilespmem:$0x10200] =	vst v63  }
0xcf: {  	v4 =	vadd.s32 v2, v4  }
0xd0: {  	[tilespmem:s20], [sflag:$0x2] =	stream.indirect_vreg.gather [hbm4b:s10+s3], $0x80, v5, vm0, $0xb8;
	[tilespmem:$0x10200] =	vst v63  }
0xd1: {  	_ = 	snop  }
0xd2: {  	[tilespmem:s21], [sflag:$0x2] =	stream.indirect_vreg.gather [hbm4b:s11+s3], $0x80, v5, vm0, $0xb8;
	[tilespmem:$0x10200] =	vst v63  }
0xd3: {  	_ = 	snop  }
0xd4: {  	[tilespmem:s22], [sflag:$0x2] =	stream.indirect_vreg.gather [hbm4b:s1+s3], $0x80, v4, vm0, $0xb8;
	[tilespmem:$0x10200] =	vst v63  }
0xd5: {  	_ = 	snop  }
0xd6: {  	[tilespmem:s23], [sflag:$0x2] =	stream.indirect_vreg.gather [hbm4b:s5+s3], $0x80, v4, vm0, $0xb8;
	[tilespmem:$0x10200] =	vst v63  }
0xd7: {  	_ = 	snop  }
0xd8: {  	[tilespmem:s24], [sflag:$0x2] =	stream.indirect_vreg.gather [hbm4b:s6+s3], $0x80, v4, vm0, $0xb8;
	[tilespmem:$0x10200] =	vst v63  }
0xd9: {  	_ = 	snop  }
0xda: {  	[tilespmem:s25], [sflag:$0x2] =	stream.indirect_vreg.gather [hbm4b:s7+s3], $0x80, v4, vm0, $0xb8;
	[tilespmem:$0x10200] =	vst v63  }
0xdb: {  	_ = 	snop  }
0xdc: {  	[tilespmem:s26], [sflag:$0x2] =	stream.indirect_vreg.gather [hbm4b:s8+s3], $0x80, v4, vm0, $0xb8;
	[tilespmem:$0x10200] =	vst v63  }
0xdd: {  	_ = 	snop  }
0xde: {  	[tilespmem:s28], [sflag:$0x2] =	stream.indirect_vreg.gather [hbm4b:s9+s3], $0x80, v4, vm0, $0xb8;
	[tilespmem:$0x10200] =	vst v63  }
.Ltmp3:
0xdf: {  	_ = 	snop;
	(pc) =	sbr.rel .LBB2_2-.Ltmp3, $4  }
0xe0: {  	_ = 	snop  }
0xe1: {  	[tilespmem:s29], [sflag:$0x2] =	stream.indirect_vreg.gather [hbm4b:s10+s3], $0x80, v4, vm0, $0xb8;
	[tilespmem:$0x10200] =	vst v63  }
0xe2: {  	s15 =	sadd.s32 $0x2000, s15;
	s14 =	sadd.s32 $0x80, s14  }
0xe3: {  	[tilespmem:s30], [sflag:$0x2] =	stream.indirect_vreg.gather [hbm4b:s11+s3], $0x80, v4, vm0, $0xb8;
	[tilespmem:$0x10200] =	vst v63  }
.LBB2_5:
0xe4: {  	_ =	sfence.sel $0x180000  }
0xe5: {  	[bflag:$0x0] =	sbarrier.arrive $0xFFFF  }
0xe6: {  	_ =	strace $0x90000047  }
0xe7: {  	s0 =	stileid.u32;
	[bflag:$0x2] =	sbarrier.arrive $0xFFFF  }
0xe8: {  	p0 =	sne.s32 s0, $0x0;
	s0 =	rddreg [dreg:$0x3]  }
0xe9: {  	s0 =	sadd.s32 @!p0 $0x100000, s0  }
0xea: {  	[sflag:s0] =	ssyncadd.tile.s32 @!p0 $0x1;
	_ =	shalt  }
.Lfunc_end2:
_tile_overlayer_lowered:
.L_overlay_start_2:
0xeb: {  	(tag) =	ssettag $0x2  }
0xec: {  	s0 =	rddreg [dreg:$0x0];
	s2 =	stileid.u32  }
0xed: {  	s1 =	rddreg [dreg:$0x1];
	p0 =	sne.s32 s2, $0x0  }
0xee: {  	s3 =	rddreg [dreg:$0x2];
	[bflag:$0x3] =	sbarrier.arrive $0xFFFF;
	s2 =	simm.s32 @!p0 $0x1C05  }
0xef: {  	[timem:s3], [sflag:s2] =	dma.local @!p0 [hbm:s0], s1  }
0xf0: {  	s0 =	simm.s32 @!p0 $0x5  }
0xf1: {  	_ =	swait.ge @!p0 [sflag:s0], s1  }
0xf2: {  	s1 =	ssub.s32 @!p0 $0x0, s1;
	[sflag:s0] =	ssyncset.done @!p0 $0x0  }
0xf3: {  	[sflag:s0] =	ssyncadd.s32 @!p0 s1  }
0xf4: {  	[bflag:$0x3] =	sbarrier.arrive $0xFFFF  }
0xf5: {  	_ =	shalt  }

</sc_bundles>
